<compile_context>
chip_gen: v7x
topology: tpu7x:2x2x1
jax: 0.10.2.dev20260603
libtpu: 0.0.44.dev20260713+nightly
codegen_flags: <defaults>
</compile_context>

<pallas_src>
import functools

import jax
import jax.numpy as jnp
from jax import lax
from jax.experimental import pallas as pl
from jax.experimental.pallas import tpu as pltpu
from jax.experimental.pallas import tpu_sc as plsc

D = 256
K = 8192
N = 16384


NT = 512
KT = 2048


def _argmin_body(x_ref, x2_ref, e_ref, e2_ref, out_ref):
    xb = x_ref[...]
    x2b = x2_ref[...]

    def step(k, carry):
        bv, bi = carry
        off = pl.multiple_of(k * KT, KT)
        eb = e_ref[:, pl.ds(off, KT)]
        s = lax.dot_general(xb.astype(jnp.bfloat16), eb.astype(jnp.bfloat16),
                            (((1,), (0,)), ((), ())),
                            preferred_element_type=jnp.float32)
        d = (x2b - 2.0 * s) + e2_ref[:, pl.ds(off, KT)]
        m = jnp.min(d, axis=1, keepdims=True)
        col = lax.broadcasted_iota(jnp.int32, (NT, KT), 1) + k * KT
        c = jnp.min(jnp.where(d <= m, col, jnp.int32(K)),
                    axis=1, keepdims=True)
        upd = m < bv
        return jnp.where(upd, m, bv), jnp.where(upd, c, bi)

    bv0 = jnp.full((NT, 1), jnp.inf, jnp.float32)
    bi0 = jnp.zeros((NT, 1), jnp.int32)
    _, bi = lax.fori_loop(0, K // KT, step, (bv0, bi0))
    out_ref[...] = bi


def _argmin_call(x_flat, x2, embed, e2):
    return pl.pallas_call(
        _argmin_body,
        grid=(N // NT,),
        in_specs=[
            pl.BlockSpec((NT, D), lambda n: (n, 0)),
            pl.BlockSpec((NT, 1), lambda n: (n, 0)),
            pl.BlockSpec((D, K), lambda n: (0, 0)),
            pl.BlockSpec((1, K), lambda n: (0, 0)),
        ],
        out_specs=pl.BlockSpec((NT, 1), lambda n: (n, 0)),
        out_shape=jax.ShapeDtypeStruct((N, 1), jnp.int32),
        compiler_params=pltpu.CompilerParams(
            dimension_semantics=("arbitrary",),
        ),
    )(x_flat, x2, embed, e2)



NC = 2
NS = 16
NW = NC * NS
BPW = N // NW
CH = 128


def _sc_gather_hist(embed_t, ind, zeros_k, ones_w):
    mesh = plsc.VectorSubcoreMesh(core_axis_name="c", subcore_axis_name="s")

    @functools.partial(
        pl.kernel,
        mesh=mesh,
        out_type=(
            jax.ShapeDtypeStruct((N, D), jnp.float32),
            jax.ShapeDtypeStruct((NC, K), jnp.float32),
        ),
        scratch_types=[
            pltpu.VMEM((BPW,), jnp.int32),
            pltpu.VMEM((CH, D), jnp.float32),
            pltpu.VMEM((BPW,), jnp.float32),
            pltpu.VMEM_SHARED((K,), jnp.float32),
            pltpu.SemaphoreType.DMA,
        ],
    )
    def body(tbl_hbm, idx_hbm, zer_hbm, one_hbm, q_hbm, cnt_hbm,
             idx_v, buf, ones_v, cnts_sh, sem):
        cid = lax.axis_index("c")
        sid = lax.axis_index("s")
        wid = sid * NC + cid
        base = wid * BPW
        pltpu.sync_copy(idx_hbm.at[pl.ds(base, BPW)], idx_v)
        pltpu.sync_copy(one_hbm, ones_v)

        @pl.when(sid == 0)
        def _():
            pltpu.sync_copy(zer_hbm, cnts_sh)

        plsc.subcore_barrier()
        pltpu.sync_copy(ones_v, cnts_sh.at[idx_v], add=True)
        plsc.subcore_barrier()

        @pl.when(sid == 0)
        def _():
            pltpu.sync_copy(cnts_sh, cnt_hbm.at[cid])

        for ch in range(BPW // CH):
            idx_sl = idx_v.at[pl.ds(ch * CH, CH)]
            pltpu.async_copy(tbl_hbm.at[idx_sl], buf, sem).wait()
            pltpu.sync_copy(buf, q_hbm.at[pl.ds(base + ch * CH, CH)])

    return body(embed_t, ind, zeros_k, ones_w)



NB = 16
CT = N // NB


def _fin_body(q_ref, x_ref, cnt_ref, loss_ref, perp_ref):
    b = pl.program_id(0)
    diff = q_ref[...] - x_ref[...]
    part = jnp.sum(diff * diff)

    @pl.when(b == 0)
    def _():
        loss_ref[0, 0] = 0.0

    loss_ref[0, 0] += part

    @pl.when(b == NB - 1)
    def _():
        loss_ref[0, 0] = loss_ref[0, 0] * (1.25 / (N * D))
        p = (cnt_ref[0, :] + cnt_ref[1, :]) * (1.0 / N)
        ent = jnp.sum(p * jnp.log(p + 1e-10))
        perp_ref[0, 0] = jnp.exp(-ent)


def _finalize(q_flat, x_flat, counts):
    return pl.pallas_call(
        _fin_body,
        grid=(NB,),
        in_specs=[
            pl.BlockSpec((CT, D), lambda b: (b, 0)),
            pl.BlockSpec((CT, D), lambda b: (b, 0)),
            pl.BlockSpec((NC, K), lambda b: (0, 0)),
        ],
        out_specs=[
            pl.BlockSpec(memory_space=pltpu.MemorySpace.SMEM),
            pl.BlockSpec(memory_space=pltpu.MemorySpace.SMEM),
        ],
        out_shape=[
            jax.ShapeDtypeStruct((1, 1), jnp.float32),
            jax.ShapeDtypeStruct((1, 1), jnp.float32),
        ],
        compiler_params=pltpu.CompilerParams(
            dimension_semantics=("arbitrary",),
        ),
    )(q_flat, x_flat, counts)




def kernel(x, embed):
    x_p = jnp.transpose(x, (0, 2, 3, 1))
    x_flat = x_p.reshape(-1, D)
    x2 = jnp.sum(x_flat ** 2, axis=1, keepdims=True)
    e2 = jnp.sum(embed ** 2, axis=0, keepdims=True)
    ind = _argmin_call(x_flat, x2, embed, e2).reshape(-1)

    embed_t = embed.T
    zeros_k = jnp.zeros((K,), jnp.float32)
    ones_w = jnp.ones((BPW,), jnp.float32)
    q_flat, counts = _sc_gather_hist(embed_t, ind, zeros_k, ones_w)

    loss11, perp11 = _finalize(q_flat, x_flat, counts)

    quantized_st = jnp.transpose(q_flat.reshape(16, 32, 32, D), (0, 3, 1, 2))
    return (loss11.reshape(()), quantized_st, perp11.reshape(()),
            ind.reshape(16, 32, 32))

# --- scband reference (transcript-rebuilt; emitter-appended) ---
"""Pipeline reference for scband-vector-quantizer-27513560498742 (READ-ONLY COPY).

The authoritative reference and input builder live on the scoring server;
editing this copy changes nothing except your own understanding.
"""

import jax, jax.numpy as jnp
import numpy as np

EMBEDDING_DIM = 256
NUM_EMBEDDINGS = 8192
COMMITMENT_COST = 0.25


def setup_inputs(seed: int = 0) -> dict:
    key = jax.random.key(seed)
    k1, k2 = jax.random.split(key)
    x = jax.random.normal(k1, (16, 256, 32, 32), dtype=jnp.float32)
    # learned codebook buffer, shape (embedding_dim, num_embeddings) as in the torch module
    embed = jax.random.normal(k2, (EMBEDDING_DIM, NUM_EMBEDDINGS), dtype=jnp.float32)
    return {"x": x, "embed": embed}


def reference(x, embed):
    # x: [B, C, H, W] -> [B, H, W, C]
    x_p = jnp.transpose(x, (0, 2, 3, 1))
    x_shape = x_p.shape
    x_flat = x_p.reshape(-1, EMBEDDING_DIM)
    # distance: [N, K]
    distance = (
        jnp.sum(x_flat ** 2, axis=1, keepdims=True)
        - 2.0 * (x_flat @ embed)
        + jnp.sum(embed ** 2, axis=0, keepdims=True)
    )
    embed_ind = jnp.argmax(-distance, axis=1)
    embed_onehot = jax.nn.one_hot(embed_ind, NUM_EMBEDDINGS, dtype=x_flat.dtype)
    embed_ind_r = embed_ind.reshape(x_shape[:-1])
    # embed_code: F.embedding(embed_id, embed.T)
    quantized = jnp.take(embed.T, embed_ind_r, axis=0)
    # eval mode: EMA branch skipped (training-only)
    e_latent_loss = jnp.mean((jax.lax.stop_gradient(quantized) - x_p) ** 2)
    q_latent_loss = jnp.mean((quantized - jax.lax.stop_gradient(x_p)) ** 2)
    loss = q_latent_loss + e_latent_loss * COMMITMENT_COST
    quantized_st = x_p + jax.lax.stop_gradient(quantized - x_p)
    avg_probs = jnp.mean(embed_onehot, axis=0)
    perplexity = jnp.exp(-jnp.sum(avg_probs * jnp.log(avg_probs + 1e-10)))
    return (
        loss,
        jnp.transpose(quantized_st, (0, 3, 1, 2)),
        perplexity,
        embed_ind_r,
    )

if __name__ == "__main__":
    import jax
    _d = setup_inputs()
    print(jax.jit(kernel)(*tuple(_d.values())))

</pallas_src>

<mosaic_0001>
#map = affine_map<(d0, d1) -> (0, 0)>
#map1 = affine_map<(d0, d1) -> (0)>
module attributes {stable_mosaic.version = 14 : i64} {
  func.func @body(%arg0: i32, %arg1: i32, %arg2: memref<8192x256xf32, #tpu.memory_space<hbm>>, %arg3: memref<16384xi32, #tpu.memory_space<hbm>>, %arg4: memref<8192xf32, #tpu.memory_space<hbm>>, %arg5: memref<512xf32, #tpu.memory_space<hbm>>, %arg6: memref<16384x256xf32, #tpu.memory_space<hbm>>, %arg7: memref<2x8192xf32, #tpu.memory_space<hbm>>, %arg8: memref<512xi32, #tpu.memory_space<vmem>>, %arg9: memref<128x256xf32, #tpu.memory_space<vmem>>, %arg10: memref<512xf32, #tpu.memory_space<vmem>>, %arg11: memref<8192xf32, #tpu.memory_space<vmem_shared>>, %arg12: memref<!tpu.dma_semaphore, #tpu.memory_space<semaphore_mem>>) attributes {dimension_semantics = [#tpu.dimension_semantics<core_parallel>, #tpu.dimension_semantics<subcore_parallel>], iteration_bounds = array<i64: 2, 16>, scalar_prefetch = 0 : i64, scratch_operands = 5 : i64, tpu.core_type = #tpu.core_type<sc_vector_subcore>, window_params = [{transform_indices = #map}, {transform_indices = #map1}, {transform_indices = #map1}, {transform_indices = #map1}, {transform_indices = #map}, {transform_indices = #map}]} {
    %mul3A = arith.constant 2 : i32
    %mul3A_0 = arith.muli %arg1, %mul3A : i32
    %add3A = arith.addi %mul3A_0, %arg0 : i32
    %mul3A_1 = arith.constant 512 : i32
    %mul3A_2 = arith.muli %add3A, %mul3A_1 : i32
    "tpu.region"() ({
      %run_scoped3A = tpu.sem_alloc : memref<!tpu.dma_semaphore, #tpu.memory_space<semaphore_mem>>
      %dma_start3A_57 = tpu.memref_slice %arg3[%mul3A_2] : memref<16384xi32, #tpu.memory_space<hbm>> -> memref<512xi32, #tpu.memory_space<hbm>>
      %dma_start3A_58 = tpu.memref_slice %arg3[%mul3A_2] : memref<16384xi32, #tpu.memory_space<hbm>> -> memref<512xi32, #tpu.memory_space<hbm>>
      tpu.enqueue_dma source(%dma_start3A_58 : memref<512xi32, #tpu.memory_space<hbm>>) target(%arg8 : memref<512xi32, #tpu.memory_space<vmem>>) target_semaphore(%run_scoped3A : memref<!tpu.dma_semaphore, #tpu.memory_space<semaphore_mem>>)
      %dma_wait3A_59 = tpu.memref_slice %arg3[%mul3A_2] : memref<16384xi32, #tpu.memory_space<hbm>> -> memref<512xi32, #tpu.memory_space<hbm>>
      %dma_wait3A_60 = tpu.memref_slice %arg3[%mul3A_2] : memref<16384xi32, #tpu.memory_space<hbm>> -> memref<512xi32, #tpu.memory_space<hbm>>
      tpu.wait_dma2 semaphore(%run_scoped3A : memref<!tpu.dma_semaphore, #tpu.memory_space<semaphore_mem>>) src(%dma_wait3A_60 : memref<512xi32, #tpu.memory_space<hbm>>) dst(%arg8 : memref<512xi32, #tpu.memory_space<vmem>>)
      tpu.yield
    }) : () -> ()
    "tpu.region"() ({
      %run_scoped3A = tpu.sem_alloc : memref<!tpu.dma_semaphore, #tpu.memory_space<semaphore_mem>>
      tpu.enqueue_dma source(%arg5 : memref<512xf32, #tpu.memory_space<hbm>>) target(%arg10 : memref<512xf32, #tpu.memory_space<vmem>>) target_semaphore(%run_scoped3A : memref<!tpu.dma_semaphore, #tpu.memory_space<semaphore_mem>>)
      tpu.wait_dma2 semaphore(%run_scoped3A : memref<!tpu.dma_semaphore, #tpu.memory_space<semaphore_mem>>) src(%arg5 : memref<512xf32, #tpu.memory_space<hbm>>) dst(%arg10 : memref<512xf32, #tpu.memory_space<vmem>>)
      tpu.yield
    }) : () -> ()
    %eq3A = arith.constant 0 : i32
    %eq3A_3 = arith.cmpi eq, %arg1, %eq3A : i32
    %convert_element_type3A = arith.extui %eq3A_3 : i1 to i32
    %cond3A = arith.constant 0 : i32
    %cond3A_4 = arith.cmpi ne, %convert_element_type3A, %cond3A : i32
    scf.if %cond3A_4 {
      "tpu.region"() ({
        %run_scoped3A = tpu.sem_alloc : memref<!tpu.dma_semaphore, #tpu.memory_space<semaphore_mem>>
        tpu.enqueue_dma source(%arg4 : memref<8192xf32, #tpu.memory_space<hbm>>) target(%arg11 : memref<8192xf32, #tpu.memory_space<vmem_shared>>) target_semaphore(%run_scoped3A : memref<!tpu.dma_semaphore, #tpu.memory_space<semaphore_mem>>)
        tpu.wait_dma2 semaphore(%run_scoped3A : memref<!tpu.dma_semaphore, #tpu.memory_space<semaphore_mem>>) src(%arg4 : memref<8192xf32, #tpu.memory_space<hbm>>) dst(%arg11 : memref<8192xf32, #tpu.memory_space<vmem_shared>>)
        tpu.yield
      }) : () -> ()
    } else {
    }
    %barrier3A = arith.constant 0 : index
    tpu.barrier barrier_id(%barrier3A)
    "tpu.region"() ({
      %run_scoped3A = tpu.sem_alloc : memref<!tpu.dma_semaphore, #tpu.memory_space<semaphore_mem>>
      %dma_start3A_57 = arith.constant 0 : i32
      %dma_start3A_58 = tpu.memref_slice %arg11[%dma_start3A_57] : memref<8192xf32, #tpu.memory_space<vmem_shared>> -> memref<8192xf32, #tpu.memory_space<vmem_shared>>
      tpu.enqueue_indirect_dma source(%arg10 : memref<512xf32, #tpu.memory_space<vmem>>) target(%dma_start3A_58 : memref<8192xf32, #tpu.memory_space<vmem_shared>>) offsets(%arg8 : memref<512xi32, #tpu.memory_space<vmem>>) semaphore(%run_scoped3A : memref<!tpu.dma_semaphore, #tpu.memory_space<semaphore_mem>>) {add = true}
      %dma_wait3A_59 = arith.constant 0 : i32
      %dma_wait3A_60 = tpu.memref_slice %arg11[%dma_wait3A_59] : memref<8192xf32, #tpu.memory_space<vmem_shared>> -> memref<8192xf32, #tpu.memory_space<vmem_shared>>
      tpu.wait_indirect_dma semaphore(%run_scoped3A : memref<!tpu.dma_semaphore, #tpu.memory_space<semaphore_mem>>) src(%arg10 : memref<512xf32, #tpu.memory_space<vmem>>) dst(%dma_wait3A_60 : memref<8192xf32, #tpu.memory_space<vmem_shared>>)
      tpu.yield
    }) : () -> ()
    %barrier3A_5 = arith.constant 0 : index
    tpu.barrier barrier_id(%barrier3A_5)
    %eq3A_6 = arith.constant 0 : i32
    %eq3A_7 = arith.cmpi eq, %arg1, %eq3A_6 : i32
    %convert_element_type3A_8 = arith.extui %eq3A_7 : i1 to i32
    %cond3A_9 = arith.constant 0 : i32
    %cond3A_10 = arith.cmpi ne, %convert_element_type3A_8, %cond3A_9 : i32
    scf.if %cond3A_10 {
      "tpu.region"() ({
        %run_scoped3A = tpu.sem_alloc : memref<!tpu.dma_semaphore, #tpu.memory_space<semaphore_mem>>
        %dma_start3A_57 = arith.constant 0 : i32
        %dma_start3A_58 = tpu.memref_slice %arg7[%arg0, %dma_start3A_57] : memref<2x8192xf32, #tpu.memory_space<hbm>> -> memref<1x8192xf32, #tpu.memory_space<hbm>>
        %dma_start3A_59 = tpu.memref_squeeze %dma_start3A_58 : memref<1x8192xf32, #tpu.memory_space<hbm>> -> memref<8192xf32, #tpu.memory_space<hbm>>
        tpu.enqueue_dma source(%arg11 : memref<8192xf32, #tpu.memory_space<vmem_shared>>) target(%dma_start3A_59 : memref<8192xf32, #tpu.memory_space<hbm>>) target_semaphore(%run_scoped3A : memref<!tpu.dma_semaphore, #tpu.memory_space<semaphore_mem>>)
        %dma_wait3A_60 = arith.constant 0 : i32
        %dma_wait3A_61 = tpu.memref_slice %arg7[%arg0, %dma_wait3A_60] : memref<2x8192xf32, #tpu.memory_space<hbm>> -> memref<1x8192xf32, #tpu.memory_space<hbm>>
        %dma_wait3A_62 = tpu.memref_squeeze %dma_wait3A_61 : memref<1x8192xf32, #tpu.memory_space<hbm>> -> memref<8192xf32, #tpu.memory_space<hbm>>
        tpu.wait_dma2 semaphore(%run_scoped3A : memref<!tpu.dma_semaphore, #tpu.memory_space<semaphore_mem>>) src(%arg11 : memref<8192xf32, #tpu.memory_space<vmem_shared>>) dst(%dma_wait3A_62 : memref<8192xf32, #tpu.memory_space<hbm>>)
        tpu.yield
      }) : () -> ()
    } else {
    }
    %dma_start3A = arith.constant 0 : i32
    %dma_start3A_11 = tpu.memref_slice %arg8[%dma_start3A] : memref<512xi32, #tpu.memory_space<vmem>> -> memref<128xi32, #tpu.memory_space<vmem>>
    %dma_start3A_12 = arith.constant 0 : i32
    %dma_start3A_13 = arith.constant 0 : i32
    %dma_start3A_14 = tpu.memref_slice %arg2[%dma_start3A_12, %dma_start3A_13] : memref<8192x256xf32, #tpu.memory_space<hbm>> -> memref<8192x256xf32, #tpu.memory_space<hbm>>
    tpu.enqueue_indirect_dma source(%dma_start3A_14 : memref<8192x256xf32, #tpu.memory_space<hbm>>) target(%arg9 : memref<128x256xf32, #tpu.memory_space<vmem>>) offsets(%dma_start3A_11 : memref<128xi32, #tpu.memory_space<vmem>>) semaphore(%arg12 : memref<!tpu.dma_semaphore, #tpu.memory_space<semaphore_mem>>)
    %dma_wait3A = arith.constant 0 : i32
    %dma_wait3A_15 = tpu.memref_slice %arg8[%dma_wait3A] : memref<512xi32, #tpu.memory_space<vmem>> -> memref<128xi32, #tpu.memory_space<vmem>>
    %dma_wait3A_16 = arith.constant 0 : i32
    %dma_wait3A_17 = arith.constant 0 : i32
    %dma_wait3A_18 = tpu.memref_slice %arg2[%dma_wait3A_16, %dma_wait3A_17] : memref<8192x256xf32, #tpu.memory_space<hbm>> -> memref<8192x256xf32, #tpu.memory_space<hbm>>
    tpu.wait_indirect_dma semaphore(%arg12 : memref<!tpu.dma_semaphore, #tpu.memory_space<semaphore_mem>>) src(%dma_wait3A_18 : memref<8192x256xf32, #tpu.memory_space<hbm>>) dst(%arg9 : memref<128x256xf32, #tpu.memory_space<vmem>>)
    %add3A_19 = arith.constant 0 : i32
    %add3A_20 = arith.addi %mul3A_2, %add3A_19 : i32
    "tpu.region"() ({
      %run_scoped3A = tpu.sem_alloc : memref<!tpu.dma_semaphore, #tpu.memory_space<semaphore_mem>>
      %dma_start3A_57 = arith.constant 0 : i32
      %dma_start3A_58 = tpu.memref_slice %arg6[%add3A_20, %dma_start3A_57] : memref<16384x256xf32, #tpu.memory_space<hbm>> -> memref<128x256xf32, #tpu.memory_space<hbm>>
      %dma_start3A_59 = arith.constant 0 : i32
      %dma_start3A_60 = tpu.memref_slice %arg6[%add3A_20, %dma_start3A_59] : memref<16384x256xf32, #tpu.memory_space<hbm>> -> memref<128x256xf32, #tpu.memory_space<hbm>>
      tpu.enqueue_dma source(%arg9 : memref<128x256xf32, #tpu.memory_space<vmem>>) target(%dma_start3A_60 : memref<128x256xf32, #tpu.memory_space<hbm>>) target_semaphore(%run_scoped3A : memref<!tpu.dma_semaphore, #tpu.memory_space<semaphore_mem>>)
      %dma_wait3A_61 = arith.constant 0 : i32
      %dma_wait3A_62 = tpu.memref_slice %arg6[%add3A_20, %dma_wait3A_61] : memref<16384x256xf32, #tpu.memory_space<hbm>> -> memref<128x256xf32, #tpu.memory_space<hbm>>
      %dma_wait3A_63 = arith.constant 0 : i32
      %dma_wait3A_64 = tpu.memref_slice %arg6[%add3A_20, %dma_wait3A_63] : memref<16384x256xf32, #tpu.memory_space<hbm>> -> memref<128x256xf32, #tpu.memory_space<hbm>>
      tpu.wait_dma2 semaphore(%run_scoped3A : memref<!tpu.dma_semaphore, #tpu.memory_space<semaphore_mem>>) src(%arg9 : memref<128x256xf32, #tpu.memory_space<vmem>>) dst(%dma_wait3A_64 : memref<128x256xf32, #tpu.memory_space<hbm>>)
      tpu.yield
    }) : () -> ()
    %dma_start3A_21 = arith.constant 128 : i32
    %dma_start3A_22 = tpu.memref_slice %arg8[%dma_start3A_21] : memref<512xi32, #tpu.memory_space<vmem>> -> memref<128xi32, #tpu.memory_space<vmem>>
    %dma_start3A_23 = arith.constant 0 : i32
    %dma_start3A_24 = arith.constant 0 : i32
    %dma_start3A_25 = tpu.memref_slice %arg2[%dma_start3A_23, %dma_start3A_24] : memref<8192x256xf32, #tpu.memory_space<hbm>> -> memref<8192x256xf32, #tpu.memory_space<hbm>>
    tpu.enqueue_indirect_dma source(%dma_start3A_25 : memref<8192x256xf32, #tpu.memory_space<hbm>>) target(%arg9 : memref<128x256xf32, #tpu.memory_space<vmem>>) offsets(%dma_start3A_22 : memref<128xi32, #tpu.memory_space<vmem>>) semaphore(%arg12 : memref<!tpu.dma_semaphore, #tpu.memory_space<semaphore_mem>>)
    %dma_wait3A_26 = arith.constant 128 : i32
    %dma_wait3A_27 = tpu.memref_slice %arg8[%dma_wait3A_26] : memref<512xi32, #tpu.memory_space<vmem>> -> memref<128xi32, #tpu.memory_space<vmem>>
    %dma_wait3A_28 = arith.constant 0 : i32
    %dma_wait3A_29 = arith.constant 0 : i32
    %dma_wait3A_30 = tpu.memref_slice %arg2[%dma_wait3A_28, %dma_wait3A_29] : memref<8192x256xf32, #tpu.memory_space<hbm>> -> memref<8192x256xf32, #tpu.memory_space<hbm>>
    tpu.wait_indirect_dma semaphore(%arg12 : memref<!tpu.dma_semaphore, #tpu.memory_space<semaphore_mem>>) src(%dma_wait3A_30 : memref<8192x256xf32, #tpu.memory_space<hbm>>) dst(%arg9 : memref<128x256xf32, #tpu.memory_space<vmem>>)
    %add3A_31 = arith.constant 128 : i32
    %add3A_32 = arith.addi %mul3A_2, %add3A_31 : i32
    "tpu.region"() ({
      %run_scoped3A = tpu.sem_alloc : memref<!tpu.dma_semaphore, #tpu.memory_space<semaphore_mem>>
      %dma_start3A_57 = arith.constant 0 : i32
      %dma_start3A_58 = tpu.memref_slice %arg6[%add3A_32, %dma_start3A_57] : memref<16384x256xf32, #tpu.memory_space<hbm>> -> memref<128x256xf32, #tpu.memory_space<hbm>>
      %dma_start3A_59 = arith.constant 0 : i32
      %dma_start3A_60 = tpu.memref_slice %arg6[%add3A_32, %dma_start3A_59] : memref<16384x256xf32, #tpu.memory_space<hbm>> -> memref<128x256xf32, #tpu.memory_space<hbm>>
      tpu.enqueue_dma source(%arg9 : memref<128x256xf32, #tpu.memory_space<vmem>>) target(%dma_start3A_60 : memref<128x256xf32, #tpu.memory_space<hbm>>) target_semaphore(%run_scoped3A : memref<!tpu.dma_semaphore, #tpu.memory_space<semaphore_mem>>)
      %dma_wait3A_61 = arith.constant 0 : i32
      %dma_wait3A_62 = tpu.memref_slice %arg6[%add3A_32, %dma_wait3A_61] : memref<16384x256xf32, #tpu.memory_space<hbm>> -> memref<128x256xf32, #tpu.memory_space<hbm>>
      %dma_wait3A_63 = arith.constant 0 : i32
      %dma_wait3A_64 = tpu.memref_slice %arg6[%add3A_32, %dma_wait3A_63] : memref<16384x256xf32, #tpu.memory_space<hbm>> -> memref<128x256xf32, #tpu.memory_space<hbm>>
      tpu.wait_dma2 semaphore(%run_scoped3A : memref<!tpu.dma_semaphore, #tpu.memory_space<semaphore_mem>>) src(%arg9 : memref<128x256xf32, #tpu.memory_space<vmem>>) dst(%dma_wait3A_64 : memref<128x256xf32, #tpu.memory_space<hbm>>)
      tpu.yield
    }) : () -> ()
    %dma_start3A_33 = arith.constant 256 : i32
    %dma_start3A_34 = tpu.memref_slice %arg8[%dma_start3A_33] : memref<512xi32, #tpu.memory_space<vmem>> -> memref<128xi32, #tpu.memory_space<vmem>>
    %dma_start3A_35 = arith.constant 0 : i32
    %dma_start3A_36 = arith.constant 0 : i32
    %dma_start3A_37 = tpu.memref_slice %arg2[%dma_start3A_35, %dma_start3A_36] : memref<8192x256xf32, #tpu.memory_space<hbm>> -> memref<8192x256xf32, #tpu.memory_space<hbm>>
    tpu.enqueue_indirect_dma source(%dma_start3A_37 : memref<8192x256xf32, #tpu.memory_space<hbm>>) target(%arg9 : memref<128x256xf32, #tpu.memory_space<vmem>>) offsets(%dma_start3A_34 : memref<128xi32, #tpu.memory_space<vmem>>) semaphore(%arg12 : memref<!tpu.dma_semaphore, #tpu.memory_space<semaphore_mem>>)
    %dma_wait3A_38 = arith.constant 256 : i32
    %dma_wait3A_39 = tpu.memref_slice %arg8[%dma_wait3A_38] : memref<512xi32, #tpu.memory_space<vmem>> -> memref<128xi32, #tpu.memory_space<vmem>>
    %dma_wait3A_40 = arith.constant 0 : i32
    %dma_wait3A_41 = arith.constant 0 : i32
    %dma_wait3A_42 = tpu.memref_slice %arg2[%dma_wait3A_40, %dma_wait3A_41] : memref<8192x256xf32, #tpu.memory_space<hbm>> -> memref<8192x256xf32, #tpu.memory_space<hbm>>
    tpu.wait_indirect_dma semaphore(%arg12 : memref<!tpu.dma_semaphore, #tpu.memory_space<semaphore_mem>>) src(%dma_wait3A_42 : memref<8192x256xf32, #tpu.memory_space<hbm>>) dst(%arg9 : memref<128x256xf32, #tpu.memory_space<vmem>>)
    %add3A_43 = arith.constant 256 : i32
    %add3A_44 = arith.addi %mul3A_2, %add3A_43 : i32
    "tpu.region"() ({
      %run_scoped3A = tpu.sem_alloc : memref<!tpu.dma_semaphore, #tpu.memory_space<semaphore_mem>>
      %dma_start3A_57 = arith.constant 0 : i32
      %dma_start3A_58 = tpu.memref_slice %arg6[%add3A_44, %dma_start3A_57] : memref<16384x256xf32, #tpu.memory_space<hbm>> -> memref<128x256xf32, #tpu.memory_space<hbm>>
      %dma_start3A_59 = arith.constant 0 : i32
      %dma_start3A_60 = tpu.memref_slice %arg6[%add3A_44, %dma_start3A_59] : memref<16384x256xf32, #tpu.memory_space<hbm>> -> memref<128x256xf32, #tpu.memory_space<hbm>>
      tpu.enqueue_dma source(%arg9 : memref<128x256xf32, #tpu.memory_space<vmem>>) target(%dma_start3A_60 : memref<128x256xf32, #tpu.memory_space<hbm>>) target_semaphore(%run_scoped3A : memref<!tpu.dma_semaphore, #tpu.memory_space<semaphore_mem>>)
      %dma_wait3A_61 = arith.constant 0 : i32
      %dma_wait3A_62 = tpu.memref_slice %arg6[%add3A_44, %dma_wait3A_61] : memref<16384x256xf32, #tpu.memory_space<hbm>> -> memref<128x256xf32, #tpu.memory_space<hbm>>
      %dma_wait3A_63 = arith.constant 0 : i32
      %dma_wait3A_64 = tpu.memref_slice %arg6[%add3A_44, %dma_wait3A_63] : memref<16384x256xf32, #tpu.memory_space<hbm>> -> memref<128x256xf32, #tpu.memory_space<hbm>>
      tpu.wait_dma2 semaphore(%run_scoped3A : memref<!tpu.dma_semaphore, #tpu.memory_space<semaphore_mem>>) src(%arg9 : memref<128x256xf32, #tpu.memory_space<vmem>>) dst(%dma_wait3A_64 : memref<128x256xf32, #tpu.memory_space<hbm>>)
      tpu.yield
    }) : () -> ()
    %dma_start3A_45 = arith.constant 384 : i32
    %dma_start3A_46 = tpu.memref_slice %arg8[%dma_start3A_45] : memref<512xi32, #tpu.memory_space<vmem>> -> memref<128xi32, #tpu.memory_space<vmem>>
    %dma_start3A_47 = arith.constant 0 : i32
    %dma_start3A_48 = arith.constant 0 : i32
    %dma_start3A_49 = tpu.memref_slice %arg2[%dma_start3A_47, %dma_start3A_48] : memref<8192x256xf32, #tpu.memory_space<hbm>> -> memref<8192x256xf32, #tpu.memory_space<hbm>>
    tpu.enqueue_indirect_dma source(%dma_start3A_49 : memref<8192x256xf32, #tpu.memory_space<hbm>>) target(%arg9 : memref<128x256xf32, #tpu.memory_space<vmem>>) offsets(%dma_start3A_46 : memref<128xi32, #tpu.memory_space<vmem>>) semaphore(%arg12 : memref<!tpu.dma_semaphore, #tpu.memory_space<semaphore_mem>>)
    %dma_wait3A_50 = arith.constant 384 : i32
    %dma_wait3A_51 = tpu.memref_slice %arg8[%dma_wait3A_50] : memref<512xi32, #tpu.memory_space<vmem>> -> memref<128xi32, #tpu.memory_space<vmem>>
    %dma_wait3A_52 = arith.constant 0 : i32
    %dma_wait3A_53 = arith.constant 0 : i32
    %dma_wait3A_54 = tpu.memref_slice %arg2[%dma_wait3A_52, %dma_wait3A_53] : memref<8192x256xf32, #tpu.memory_space<hbm>> -> memref<8192x256xf32, #tpu.memory_space<hbm>>
    tpu.wait_indirect_dma semaphore(%arg12 : memref<!tpu.dma_semaphore, #tpu.memory_space<semaphore_mem>>) src(%dma_wait3A_54 : memref<8192x256xf32, #tpu.memory_space<hbm>>) dst(%arg9 : memref<128x256xf32, #tpu.memory_space<vmem>>)
    %add3A_55 = arith.constant 384 : i32
    %add3A_56 = arith.addi %mul3A_2, %add3A_55 : i32
    "tpu.region"() ({
      %run_scoped3A = tpu.sem_alloc : memref<!tpu.dma_semaphore, #tpu.memory_space<semaphore_mem>>
      %dma_start3A_57 = arith.constant 0 : i32
      %dma_start3A_58 = tpu.memref_slice %arg6[%add3A_56, %dma_start3A_57] : memref<16384x256xf32, #tpu.memory_space<hbm>> -> memref<128x256xf32, #tpu.memory_space<hbm>>
      %dma_start3A_59 = arith.constant 0 : i32
      %dma_start3A_60 = tpu.memref_slice %arg6[%add3A_56, %dma_start3A_59] : memref<16384x256xf32, #tpu.memory_space<hbm>> -> memref<128x256xf32, #tpu.memory_space<hbm>>
      tpu.enqueue_dma source(%arg9 : memref<128x256xf32, #tpu.memory_space<vmem>>) target(%dma_start3A_60 : memref<128x256xf32, #tpu.memory_space<hbm>>) target_semaphore(%run_scoped3A : memref<!tpu.dma_semaphore, #tpu.memory_space<semaphore_mem>>)
      %dma_wait3A_61 = arith.constant 0 : i32
      %dma_wait3A_62 = tpu.memref_slice %arg6[%add3A_56, %dma_wait3A_61] : memref<16384x256xf32, #tpu.memory_space<hbm>> -> memref<128x256xf32, #tpu.memory_space<hbm>>
      %dma_wait3A_63 = arith.constant 0 : i32
      %dma_wait3A_64 = tpu.memref_slice %arg6[%add3A_56, %dma_wait3A_63] : memref<16384x256xf32, #tpu.memory_space<hbm>> -> memref<128x256xf32, #tpu.memory_space<hbm>>
      tpu.wait_dma2 semaphore(%run_scoped3A : memref<!tpu.dma_semaphore, #tpu.memory_space<semaphore_mem>>) src(%arg9 : memref<128x256xf32, #tpu.memory_space<vmem>>) dst(%dma_wait3A_64 : memref<128x256xf32, #tpu.memory_space<hbm>>)
      tpu.yield
    }) : () -> ()
    return
  }
}

module attributes {stable_mosaic.version = 14 : i64} {
  func.func @_argmin_body(%arg0: i32, %arg1: memref<512x256xf32, #tpu.memory_space<vmem>>, %arg2: memref<512x1xf32, #tpu.memory_space<vmem>>, %arg3: memref<256x8192xf32, #tpu.memory_space<vmem>>, %arg4: memref<1x8192xf32, #tpu.memory_space<vmem>>, %arg5: memref<512x1xi32, #tpu.memory_space<vmem>>) attributes {dimension_semantics = [#tpu.dimension_semantics<arbitrary>], iteration_bounds = array<i64: 32>, scalar_prefetch = 0 : i64, scratch_operands = 0 : i64, tpu.core_type = #tpu.core_type<tc>, window_params = [{transform_indices = @transform_0, window_bounds = array<i64: 512, 256>}, {transform_indices = @transform_1, window_bounds = array<i64: 512, 1>}, {pipeline_mode = #tpu.pipeline_mode<synchronous>, transform_indices = @transform_2, window_bounds = array<i64: 256, 8192>}, {pipeline_mode = #tpu.pipeline_mode<synchronous>, transform_indices = @transform_3, window_bounds = array<i64: 1, 8192>}, {transform_indices = @transform_4, window_bounds = array<i64: 512, 1>}]} {
    %get3A = arith.constant 0 : index
    %get3A_0 = arith.constant 0 : index
    %get3A_1 = vector.load %arg1[%get3A, %get3A_0] : memref<512x256xf32, #tpu.memory_space<vmem>>, vector<512x256xf32>
    %get3A_2 = arith.constant 0 : index
    %get3A_3 = arith.constant 0 : index
    %get3A_4 = vector.load %arg2[%get3A_2, %get3A_3] : memref<512x1xf32, #tpu.memory_space<vmem>>, vector<512x1xf32>
    %broadcast_in_dim3A = arith.constant 0x7F800000 : f32
    %broadcast_in_dim3A_5 = vector.broadcast %broadcast_in_dim3A : f32 to vector<512x1xf32>
    %broadcast_in_dim3A_6 = arith.constant 0 : i32
    %broadcast_in_dim3A_7 = vector.broadcast %broadcast_in_dim3A_6 : i32 to vector<512x1xi32>
    %scan3A = arith.constant 0 : i32
    %scan3A_8 = arith.constant 4 : i32
    %scan3A_9 = arith.addi %scan3A, %scan3A_8 : i32
    %scan3A_10 = arith.constant 1 : i32
    %scan3A_11:2 = scf.for %scan3A_15 = %scan3A to %scan3A_9 step %scan3A_10 iter_args(%scan3A_16 = %broadcast_in_dim3A_5, %scan3A_17 = %broadcast_in_dim3A_7) -> (vector<512x1xf32>, vector<512x1xi32>)  : i32 {
      %mul3A = arith.constant 2048 : i32
      %mul3A_18 = arith.muli %scan3A_15, %mul3A : i32
      %multiple_of3A = tpu.assume_multiple %mul3A_18, 2048 : i32
      %get3A_19 = arith.constant 0 : index
      %get3A_20 = arith.index_cast %multiple_of3A : i32 to index
      %get3A_21 = vector.load %arg3[%get3A_19, %get3A_20] : memref<256x8192xf32, #tpu.memory_space<vmem>>, vector<256x2048xf32>
      %convert_element_type3A = arith.truncf %get3A_1 : vector<512x256xf32> to vector<512x256xbf16>
      %convert_element_type3A_22 = arith.truncf %get3A_21 : vector<256x2048xf32> to vector<256x2048xbf16>
      %dot_general3A = arith.constant dense<0.000000e+00> : vector<512x2048xf32>
      %dot_general3A_23 = tpu.matmul %convert_element_type3A, %convert_element_type3A_22, %dot_general3A {dimension_numbers = #tpu.dot_dimension_numbers<[1], [0], [0], [1], [0, 0, 1, 1], [], []>, transpose_lhs_hint = false} : vector<512x256xbf16>, vector<256x2048xbf16>, vector<512x2048xf32> -> vector<512x2048xf32>
      %mul3A_24 = arith.constant 2.000000e+00 : f32
      %mul3A_25 = vector.broadcast %mul3A_24 : f32 to vector<512x2048xf32>
      %mul3A_26 = arith.mulf %mul3A_25, %dot_general3A_23 : vector<512x2048xf32>
      %sub3A = vector.broadcast %get3A_4 : vector<512x1xf32> to vector<512x2048xf32>
      %sub3A_27 = arith.subf %sub3A, %mul3A_26 : vector<512x2048xf32>
      %get3A_28 = arith.constant 0 : index
      %get3A_29 = arith.index_cast %multiple_of3A : i32 to index
      %get3A_30 = vector.load %arg4[%get3A_28, %get3A_29] : memref<1x8192xf32, #tpu.memory_space<vmem>>, vector<1x2048xf32>
      %add3A = vector.broadcast %get3A_30 : vector<1x2048xf32> to vector<512x2048xf32>
      %add3A_31 = arith.addf %sub3A_27, %add3A : vector<512x2048xf32>
      %reduce_min3A = arith.constant dense<0x7F800000> : vector<512xf32>
      %reduce_min3A_32 = vector.multi_reduction <minimumf>, %add3A_31, %reduce_min3A [1] : vector<512x2048xf32> to vector<512xf32>
      %broadcast_in_dim3A_33 = vector.shape_cast %reduce_min3A_32 : vector<512xf32> to vector<512x1xf32>
      %iota3A = tpu.iota {dimensions = array<i32: 1>} : vector<512x2048xi32>
      %mul3A_34 = arith.constant 2048 : i32
      %mul3A_35 = arith.muli %scan3A_15, %mul3A_34 : i32
      %add3A_36 = vector.broadcast %mul3A_35 : i32 to vector<512x2048xi32>
      %add3A_37 = arith.addi %iota3A, %add3A_36 : vector<512x2048xi32>
      %le3A = vector.broadcast %broadcast_in_dim3A_33 : vector<512x1xf32> to vector<512x2048xf32>
      %le3A_38 = arith.cmpf ole, %add3A_31, %le3A : vector<512x2048xf32>
      %jit3A = arith.constant 8192 : i32
      %broadcast_in_dim3A_39 = vector.broadcast %jit3A : i32 to vector<512x2048xi32>
      %select_n3A = arith.select %le3A_38, %add3A_37, %broadcast_in_dim3A_39 : vector<512x2048xi1>, vector<512x2048xi32>
      %reduce_min3A_40 = arith.constant dense<2147483647> : vector<512xi32>
      %reduce_min3A_41 = vector.multi_reduction <minsi>, %select_n3A, %reduce_min3A_40 [1] : vector<512x2048xi32> to vector<512xi32>
      %broadcast_in_dim3A_42 = vector.shape_cast %reduce_min3A_41 : vector<512xi32> to vector<512x1xi32>
      %lt3A = arith.cmpf olt, %broadcast_in_dim3A_33, %scan3A_16 : vector<512x1xf32>
      %select_n3A_43 = arith.select %lt3A, %broadcast_in_dim3A_33, %scan3A_16 : vector<512x1xi1>, vector<512x1xf32>
      %select_n3A_44 = arith.select %lt3A, %broadcast_in_dim3A_42, %scan3A_17 : vector<512x1xi1>, vector<512x1xi32>
      scf.yield %select_n3A_43, %select_n3A_44 : vector<512x1xf32>, vector<512x1xi32>
    }
    %scan3A_12 = arith.constant 4 : i32
    %swap3A = arith.constant 0 : index
    %swap3A_13 = arith.constant 0 : index
    %swap3A_14 = vector.load %arg5[%swap3A, %swap3A_13] : memref<512x1xi32, #tpu.memory_space<vmem>>, vector<512x1xi32>
    tpu.vector_store %arg5[%swap3A, %swap3A_13], %scan3A_11#1 {strides = array<i32>} : memref<512x1xi32, #tpu.memory_space<vmem>>, vector<512x1xi32>,
    return
  }
  func.func @transform_0(%arg0: i32) -> (i32, i32) {
    %c0_i32 = arith.constant 0 : i32
    %c0_i32_0 = arith.constant 0 : i32
    return %arg0, %c0_i32 : i32, i32
  }
  func.func @transform_1(%arg0: i32) -> (i32, i32) {
    %c0_i32 = arith.constant 0 : i32
    %c0_i32_0 = arith.constant 0 : i32
    return %arg0, %c0_i32 : i32, i32
  }
  func.func @transform_2(%arg0: i32) -> (i32, i32) {
    %c0_i32 = arith.constant 0 : i32
    %c0_i32_0 = arith.constant 0 : i32
    %c0_i32_1 = arith.constant 0 : i32
    return %c0_i32, %c0_i32_0 : i32, i32
  }
  func.func @transform_3(%arg0: i32) -> (i32, i32) {
    %c0_i32 = arith.constant 0 : i32
    %c0_i32_0 = arith.constant 0 : i32
    %c0_i32_1 = arith.constant 0 : i32
    return %c0_i32, %c0_i32_0 : i32, i32
  }
  func.func @transform_4(%arg0: i32) -> (i32, i32) {
    %c0_i32 = arith.constant 0 : i32
    %c0_i32_0 = arith.constant 0 : i32
    return %arg0, %c0_i32 : i32, i32
  }
}

module attributes {stable_mosaic.version = 14 : i64} {
  func.func @_fin_body(%arg0: i32, %arg1: memref<1024x256xf32, #tpu.memory_space<vmem>>, %arg2: memref<1024x256xf32, #tpu.memory_space<vmem>>, %arg3: memref<2x8192xf32, #tpu.memory_space<vmem>>, %arg4: memref<1x1xf32, #tpu.memory_space<smem>>, %arg5: memref<1x1xf32, #tpu.memory_space<smem>>) attributes {dimension_semantics = [#tpu.dimension_semantics<arbitrary>], iteration_bounds = array<i64: 16>, scalar_prefetch = 0 : i64, scratch_operands = 0 : i64, tpu.core_type = #tpu.core_type<tc>, window_params = [{transform_indices = @transform_0, window_bounds = array<i64: 1024, 256>}, {transform_indices = @transform_1, window_bounds = array<i64: 1024, 256>}, {pipeline_mode = #tpu.pipeline_mode<synchronous>, transform_indices = @transform_2, window_bounds = array<i64: 2, 8192>}, {transform_indices = @transform_3, window_bounds = array<i64: 1, 1>}, {transform_indices = @transform_4, window_bounds = array<i64: 1, 1>}]} {
    %get3A = arith.constant 0 : index
    %get3A_0 = arith.constant 0 : index
    %get3A_1 = vector.load %arg1[%get3A, %get3A_0] : memref<1024x256xf32, #tpu.memory_space<vmem>>, vector<1024x256xf32>
    %get3A_2 = arith.constant 0 : index
    %get3A_3 = arith.constant 0 : index
    %get3A_4 = vector.load %arg2[%get3A_2, %get3A_3] : memref<1024x256xf32, #tpu.memory_space<vmem>>, vector<1024x256xf32>
    %sub3A = arith.subf %get3A_1, %get3A_4 : vector<1024x256xf32>
    %mul3A = arith.mulf %sub3A, %sub3A : vector<1024x256xf32>
    %reduce_sum3A = vector.shape_cast %mul3A : vector<1024x256xf32> to vector<1x1024x256xf32>
    %reduce_sum3A_5 = arith.constant dense<0.000000e+00> : vector<1xf32>
    %reduce_sum3A_6 = vector.multi_reduction <add>, %reduce_sum3A, %reduce_sum3A_5 [1, 2] : vector<1x1024x256xf32> to vector<1xf32>
    %reduce_sum3A_7 = vector.shape_cast %reduce_sum3A_6 : vector<1xf32> to vector<1x1x1xf32>
    %reduce_sum3A_8 = vector.extract %reduce_sum3A_7[0, 0, 0] : f32 from vector<1x1x1xf32>
    %eq3A = arith.constant 0 : i32
    %eq3A_9 = arith.cmpi eq, %arg0, %eq3A : i32
    %convert_element_type3A = arith.extui %eq3A_9 : i1 to i32
    %cond3A = arith.constant 0 : i32
    %cond3A_10 = arith.cmpi ne, %convert_element_type3A, %cond3A : i32
    scf.if %cond3A_10 {
      %swap3A_21 = arith.constant 0.000000e+00 : f32
      %swap3A_22 = arith.constant 0 : index
      %swap3A_23 = arith.constant 0 : index
      %swap3A_24 = memref.load %arg4[%swap3A_22, %swap3A_23] : memref<1x1xf32, #tpu.memory_space<smem>>
      memref.store %swap3A_21, %arg4[%swap3A_22, %swap3A_23] : memref<1x1xf32, #tpu.memory_space<smem>>
    } else {
    }
    %get3A_11 = arith.constant 0 : index
    %get3A_12 = arith.constant 0 : index
    %get3A_13 = memref.load %arg4[%get3A_11, %get3A_12] : memref<1x1xf32, #tpu.memory_space<smem>>
    %add3A = arith.addf %get3A_13, %reduce_sum3A_8 : f32
    %swap3A = arith.constant 0 : index
    %swap3A_14 = arith.constant 0 : index
    %swap3A_15 = memref.load %arg4[%swap3A, %swap3A_14] : memref<1x1xf32, #tpu.memory_space<smem>>
    memref.store %add3A, %arg4[%swap3A, %swap3A_14] : memref<1x1xf32, #tpu.memory_space<smem>>
    %eq3A_16 = arith.constant 15 : i32
    %eq3A_17 = arith.cmpi eq, %arg0, %eq3A_16 : i32
    %convert_element_type3A_18 = arith.extui %eq3A_17 : i1 to i32
    %cond3A_19 = arith.constant 0 : i32
    %cond3A_20 = arith.cmpi ne, %convert_element_type3A_18, %cond3A_19 : i32
    scf.if %cond3A_20 {
      %get3A_21 = arith.constant 0 : index
      %get3A_22 = arith.constant 0 : index
      %get3A_23 = memref.load %arg4[%get3A_21, %get3A_22] : memref<1x1xf32, #tpu.memory_space<smem>>
      %mul3A_24 = arith.constant 2.98023224E-7 : f32
      %mul3A_25 = arith.mulf %get3A_23, %mul3A_24 : f32
      %swap3A_26 = arith.constant 0 : index
      %swap3A_27 = arith.constant 0 : index
      %swap3A_28 = memref.load %arg4[%swap3A_26, %swap3A_27] : memref<1x1xf32, #tpu.memory_space<smem>>
      memref.store %mul3A_25, %arg4[%swap3A_26, %swap3A_27] : memref<1x1xf32, #tpu.memory_space<smem>>
      %get3A_29 = arith.constant 0 : index
      %get3A_30 = arith.constant 0 : index
      %get3A_31 = vector.load %arg3[%get3A_29, %get3A_30] : memref<2x8192xf32, #tpu.memory_space<vmem>>, vector<1x8192xf32>
      %get3A_32 = vector.shape_cast %get3A_31 : vector<1x8192xf32> to vector<8192xf32>
      %get3A_33 = arith.constant 1 : index
      %get3A_34 = arith.constant 0 : index
      %get3A_35 = vector.load %arg3[%get3A_33, %get3A_34] : memref<2x8192xf32, #tpu.memory_space<vmem>>, vector<1x8192xf32>
      %get3A_36 = vector.shape_cast %get3A_35 : vector<1x8192xf32> to vector<8192xf32>
      %add3A_37 = arith.addf %get3A_32, %get3A_36 : vector<8192xf32>
      %mul3A_38 = arith.constant 6.10351563E-5 : f32
      %mul3A_39 = vector.broadcast %mul3A_38 : f32 to vector<8192xf32>
      %mul3A_40 = arith.mulf %add3A_37, %mul3A_39 : vector<8192xf32>
      %add3A_41 = arith.constant 1.000000e-10 : f32
      %add3A_42 = vector.broadcast %add3A_41 : f32 to vector<8192xf32>
      %add3A_43 = arith.addf %mul3A_40, %add3A_42 : vector<8192xf32>
      %log3A = math.log %add3A_43 : vector<8192xf32>
      %mul3A_44 = arith.mulf %mul3A_40, %log3A : vector<8192xf32>
      %reduce_sum3A_45 = vector.shape_cast %mul3A_44 : vector<8192xf32> to vector<1x8192xf32>
      %reduce_sum3A_46 = arith.constant dense<0.000000e+00> : vector<1xf32>
      %reduce_sum3A_47 = vector.multi_reduction <add>, %reduce_sum3A_45, %reduce_sum3A_46 [1] : vector<1x8192xf32> to vector<1xf32>
      %reduce_sum3A_48 = vector.shape_cast %reduce_sum3A_47 : vector<1xf32> to vector<1x1xf32>
      %reduce_sum3A_49 = vector.extract %reduce_sum3A_48[0, 0] : f32 from vector<1x1xf32>
      %neg3A = arith.constant 0.000000e+00 : f32
      %neg3A_50 = arith.subf %neg3A, %reduce_sum3A_49 : f32
      %exp3A = math.exp %neg3A_50 : f32
      %swap3A_51 = arith.constant 0 : index
      %swap3A_52 = arith.constant 0 : index
      %swap3A_53 = memref.load %arg5[%swap3A_51, %swap3A_52] : memref<1x1xf32, #tpu.memory_space<smem>>
      memref.store %exp3A, %arg5[%swap3A_51, %swap3A_52] : memref<1x1xf32, #tpu.memory_space<smem>>
    } else {
    }
    return
  }
  func.func @transform_0(%arg0: i32) -> (i32, i32) {
    %c0_i32 = arith.constant 0 : i32
    %c0_i32_0 = arith.constant 0 : i32
    return %arg0, %c0_i32 : i32, i32
  }
  func.func @transform_1(%arg0: i32) -> (i32, i32) {
    %c0_i32 = arith.constant 0 : i32
    %c0_i32_0 = arith.constant 0 : i32
    return %arg0, %c0_i32 : i32, i32
  }
  func.func @transform_2(%arg0: i32) -> (i32, i32) {
    %c0_i32 = arith.constant 0 : i32
    %c0_i32_0 = arith.constant 0 : i32
    %c0_i32_1 = arith.constant 0 : i32
    return %c0_i32, %c0_i32_0 : i32, i32
  }
  func.func @transform_3(%arg0: i32) -> (i32, i32) {
    %c0_i32 = arith.constant 0 : i32
    %c0_i32_0 = arith.constant 0 : i32
    %c0_i32_1 = arith.constant 0 : i32
    return %c0_i32, %c0_i32_0 : i32, i32
  }
  func.func @transform_4(%arg0: i32) -> (i32, i32) {
    %c0_i32 = arith.constant 0 : i32
    %c0_i32_0 = arith.constant 0 : i32
    %c0_i32_1 = arith.constant 0 : i32
    return %c0_i32, %c0_i32_0 : i32, i32
  }
}

</mosaic_0001>

<sc_bundles>
// kernel: kernel.5.cloned.1.call-start
scs
__scs_entry_jumppad:
0x0: {  	(pc) =	sbr.rel $0x88, $3  }
0x1: {  	(tag) =	ssettag $0x0;
	lr =	simm.s32 $0x1  }
0x2: {  	[smem:$0x3F9F] =	sst lr;
	_ =	strace $0xD0000000  }
0x3: {  	_ = 	snop  }
0x4: {  	_ = 	snop  }
0x5: {  	_ = 	snop  }
0x6: {  	_ = 	snop  }
0x7: {  	_ = 	snop  }
__scs_overlays_trampoline_lowered:
0x8: {  	[smem:$0x3FAE] =	sst s0  }
0x9: {  	[smem:$0x3FAF] =	sst s1  }
0xa: {  	[smem:$0x3FB0] =	sst s2  }
0xb: {  	[smem:$0x3FB1] =	sst s3  }
0xc: {  	[smem:$0x3FB2] =	sst s4  }
0xd: {  	[smem:$0x3FB3] =	sst s5  }
0xe: {  	[smem:$0x3FB4] =	sst s6  }
0xf: {  	[smem:$0x3FB5] =	sst s7  }
0x10: {  	[smem:$0x3FB6] =	sst s8  }
0x11: {  	[smem:$0x3FB7] =	sst s9;
	s0 =	simm.s32 @!p0 $0x0  }
0x12: {  	s1 =	sld [smem:$0x3F9D];
	s0 =	simm.s32 @p0 $0x1  }
0x13: {  	[smem:$0x3FB8] =	sst s0;
	s0 =	simm.s32 @!p1 $0x0  }
0x14: {  	s2 =	sld [smem:$0x3F9C];
	s0 =	simm.s32 @p1 $0x1  }
0x15: {  	[smem:$0x3FB9] =	sst s0;
	s0 =	simm.s32 @!p2 $0x0  }
0x16: {  	s3 =	sld [smem:$0x3FDB];
	s0 =	simm.s32 @p2 $0x1  }
0x17: {  	s4 =	simm.s32 $0x1BF5;
	[smem:$0x3FBB] =	sst s0  }
0x18: {  	s0 =	sld [smem:$0x3F9E];
	_ =	swait.ge [sflag:s4], $0x0  }
0x19: {  	s7 =	sld [smem:$0x3F9F]  }
0x1a: {  	s8 =	sadd.s32 $0xFFFFE003, lr  }
0x1b: {  	s9 =	sadd.s32 $0xFFFFFEF7, lr;
	s5 =	simm.s32 $0xFFFFFFFF;
	p2 =	slt.u32 s8, $0xFFFFF086  }
0x1c: {  	p1 =	slt.u32 s9, $0xF7A;
	s5 =	simm.s32 @!p2 $0x0  }
0x1d: {  	s5 =	simm.s32 @p1 $0x1;
	p0 =	seq.s32 s7, s2  }
0x1e: {  	s7 =	smul.u32 @!p0 $0xF7A, s2;
	p2 =	seq.s32 @!p0 s5, $0x0  }
0x1f: {  	s9 =	smul.u32 $0xF7A, s1;
	s8 =	simm.s32 @!p0 $0x1BF5;
	p2 =	por !p2, p0  }
0x20: {  	[sflag:s8] =	ssyncset.s32 @!p0 $0xFFFFF086;
	s6 =	sadd.s32 @!p0 s3, s7;
	s7 =	simm.s32 @!p0 $0x108  }
0x21: {  	s3 =	sadd.s32 s3, s9;
	s6 =	sadd.s32 @!p0 $0x88, s6;
	s7 =	simm.s32 @p2 $0x1082  }
0x22: {  	[simem:s7], [sflag:s8] =	dma.local @!p0 [hbm:s6], $0xF7A  }
0x23: {  	s9 =	sor.u32 $0xD0000000, s2;
	s6 =	simm.s32 $0x108;
	_ =	swait.ge @!p0 [sflag:s8], $0x0  }
0x24: {  	s3 =	sadd.s32 $0x88, s3;
	s6 =	simm.s32 @!p1 $0x1082;
	[sflag:s4] =	ssyncset.s32 $0xFFFFF086  }
0x25: {  	[simem:s6], [sflag:s4] =	dma.local [hbm:s3], $0xF7A  }
0x26: {  	[smem:$0x3F9F] =	sst s1;
	(tag) =	ssettag s2;
	_ =	strace s9  }
0x27: {  	s1 =	sld [smem:$0x3FAF]  }
0x28: {  	s2 =	sld [smem:$0x3FB0]  }
0x29: {  	s4 =	sld [smem:$0x3FB2]  }
0x2a: {  	p0 =	seq.s32 s5, $0x0;
	s5 =	sld [smem:$0x3FB3]  }
0x2b: {  	s6 =	sld [smem:$0x3FB4]  }
0x2c: {  	s7 =	sld [smem:$0x3FB5]  }
0x2d: {  	s3 =	simm.s32 $0x108;
	s8 =	sld [smem:$0x3FB6]  }
0x2e: {  	s3 =	simm.s32 @!p0 $0x1082;
	s9 =	sld [smem:$0x3FB7]  }
0x2f: {  	lr =	sadd.s32 s0, s3;
	s0 =	sld [smem:$0x3FAE]  }
0x30: {  	s3 =	sld [smem:$0x3FB1]  }
0x31: {  	[smem:$0x3FBA] =	sst s10  }
0x32: {  	s10 =	sld [smem:$0x3FB8];
	_ =	sdelay $0x3  }
0x33: {  	p0 =	seq.s32 s10, $0x1;
	s10 =	sld [smem:$0x3FBA];
	_ =	sdelay $0x3  }
0x34: {  	[smem:$0x3FBA] =	sst s10  }
0x35: {  	s10 =	sld [smem:$0x3FB9];
	_ =	sdelay $0x3  }
0x36: {  	p1 =	seq.s32 s10, $0x1;
	s10 =	sld [smem:$0x3FBA];
	_ =	sdelay $0x3  }
0x37: {  	[smem:$0x3FBA] =	sst s10  }
0x38: {  	s10 =	sld [smem:$0x3FBB]  }
0x39: {  	_ = 	snop;
	(pc) =	sbr.ind lr, $3  }
0x3a: {  	_ = 	snop  }
0x3b: {  	_ = 	snop  }
0x3c: {  	p2 =	seq.s32 s10, $0x1;
	s10 =	sld [smem:$0x3FBA]  }
0x3d: {  	_ =	shalt  }
0x3e: {  	_ =	shalt  }
0x3f: {  	_ =	shalt  }
0x40: {  	_ =	shalt  }
0x41: {  	_ =	shalt  }
0x42: {  	_ =	shalt  }
0x43: {  	_ =	shalt  }
0x44: {  	_ =	shalt  }
0x45: {  	_ =	shalt  }
0x46: {  	_ =	shalt  }
0x47: {  	_ =	shalt  }
0x48: {  	_ =	shalt  }
0x49: {  	_ =	shalt  }
0x4a: {  	_ =	shalt  }
0x4b: {  	_ =	shalt  }
0x4c: {  	_ =	shalt  }
0x4d: {  	_ =	shalt  }
0x4e: {  	_ =	shalt  }
0x4f: {  	_ =	shalt  }
0x50: {  	_ =	shalt  }
0x51: {  	_ =	shalt  }
0x52: {  	_ =	shalt  }
0x53: {  	_ =	shalt  }
0x54: {  	_ =	shalt  }
0x55: {  	_ =	shalt  }
0x56: {  	_ =	shalt  }
0x57: {  	_ =	shalt  }
0x58: {  	_ =	shalt  }
0x59: {  	_ =	shalt  }
0x5a: {  	_ =	shalt  }
0x5b: {  	_ =	shalt  }
0x5c: {  	_ =	shalt  }
0x5d: {  	_ =	shalt  }
0x5e: {  	_ =	shalt  }
0x5f: {  	_ =	shalt  }
0x60: {  	_ =	shalt  }
0x61: {  	_ =	shalt  }
0x62: {  	_ =	shalt  }
0x63: {  	_ =	shalt  }
0x64: {  	_ =	shalt  }
0x65: {  	_ =	shalt  }
0x66: {  	_ =	shalt  }
0x67: {  	_ =	shalt  }
0x68: {  	_ =	shalt  }
0x69: {  	_ =	shalt  }
0x6a: {  	_ =	shalt  }
0x6b: {  	_ =	shalt  }
0x6c: {  	_ =	shalt  }
0x6d: {  	_ =	shalt  }
0x6e: {  	_ =	shalt  }
0x6f: {  	_ =	shalt  }
0x70: {  	_ =	shalt  }
0x71: {  	_ =	shalt  }
0x72: {  	_ =	shalt  }
0x73: {  	_ =	shalt  }
0x74: {  	_ =	shalt  }
0x75: {  	_ =	shalt  }
0x76: {  	_ =	shalt  }
0x77: {  	_ =	shalt  }
0x78: {  	_ =	shalt  }
0x79: {  	_ =	shalt  }
0x7a: {  	_ =	shalt  }
0x7b: {  	_ =	shalt  }
0x7c: {  	_ =	shalt  }
0x7d: {  	_ =	shalt  }
0x7e: {  	_ =	shalt  }
0x7f: {  	_ =	shalt  }
0x80: {  	_ =	shalt  }
0x81: {  	_ =	shalt  }
0x82: {  	_ =	shalt  }
0x83: {  	_ =	shalt  }
0x84: {  	_ =	shalt  }
0x85: {  	_ =	shalt  }
0x86: {  	_ =	shalt  }
0x87: {  	_ =	shalt  }
.Lfunc_end0:
.L_simem_size_0:
called_computation_lowered:
.L_overlay_start_0:
0x88: {  	s2 =	sld [smem:$0x3FD9]  }
0x89: {  	s3 =	sld [smem:$0x3FFE];
	_ =	sdelay $0x1  }
0x8a: {  	s1 =	srdreg.scid  }
0x8b: {  	s0 =	sand.u32 $0x1, s1  }
0x8c: {  	s14 =	sshll.u32 s0, $0xA;
	s2 =	sadd.s32 s3, s2  }
0x8d: {  	s2 =	sadd.s32 s2, s14  }
0x8e: {  	[smem:$0x3FC6] =	sst s2  }
0x8f: {  	_ = 	snop  }
0x90: {  	s2 =	sld [smem:$0x3FD0];
	_ =	sdelay $0x2  }
0x91: {  	s15 =	simm.s32 $0xA;
	s4 =	simm.s32 $0x10  }
0x92: {  	[smem:s4], [sflag:s15] =	dma.local [hbm:s2], $0x1  }
0x93: {  	_ =	swait.eq [sflag:s15], $0x1  }
0x94: {  	[sflag:s15] =	ssyncset.done $0x0  }
0x95: {  	[sflag:s15] =	ssyncadd.s32 $0xFFFFFFFF  }
0x96: {  	s16 =	sld [smem:$0x11];
	(tm) =	ssettm $0x1  }
0x97: {  	s17 =	sld [smem:$0x3FFB];
	_ =	sdelay $0x3  }
0x98: {  	_ =	strace s17  }
0x99: {  	s3 =	sld [smem:$0x3FFC];
	_ =	sdelay $0x3  }
0x9a: {  	_ =	strace s3  }
0x9b: {  	s3 =	sld [smem:$0x3FFD];
	_ =	sdelay $0x3  }
0x9c: {  	_ =	strace s3  }
0x9d: {  	_ =	strace $0x8FFFFFFF  }
0x9e: {  	s18 =	sld [smem:$0x3FDB];
	_ =	sdelay $0x1  }
0x9f: {  	s19 =	simm.s32 $_scs_section_size  }
0xa0: {  	s5 =	simm.s32 $_size__tile_overlayer_lowered;
	s6 =	simm.s32 $_tile_overlayer_lowered  }
0xa1: {  	s22 =	simm.s32 $0x1BFF;
	s21 =	sshll.u32 s6, $0x1;
	s3 =	sadd.s32 s19, s18  }
0xa2: {  	s7 =	simm.s32 $0x0;
	s20 =	sshll.u32 s5, $0x1;
	s5 =	sadd.s32 s21, s3  }
0xa3: {  	[timem:s7], [sflag:s22] =	dma.local [hbm:s5], s20  }
0xa4: {  	_ =	swait.ge [sflag:s22], s20  }
0xa5: {  	s4 =	ssub.s32 $0x0, s20;
	[sflag:s22] =	ssyncset.done $0x0  }
0xa6: {  	[sflag:s22] =	ssyncadd.s32 s4;
	_ =	sdelay $0x1  }
0xa7: {  	s23 =	simm.s32 $0x1B8B  }
0xa8: {  	_ =	swait.ge [sflag:s23], $0x1  }
0xa9: {  	[sflag:s23] =	ssyncset.done $0x0  }
0xaa: {  	s25 =	simm.s32 $0x1B8E;
	s24 =	sld [smem:$0x3FFE];
	[sflag:s23] =	ssyncadd.s32 $0xFFFFFFFF  }
0xab: {  	s26 =	simm.s32 $execute0_lowered;
	[smem:$0x3FD2] =	sst s25  }
0xac: {  	s5 =	sshll.u32 s26, $0x1;
	_ =	strace $0x80000046;
	[dreg:$0x1] =	wrdreg $0xFFFFFFFF  }
0xad: {  	s28 =	simm.s32 $_size_execute0_lowered;
	s3 =	sadd.s32 s3, s5;
	[dreg:$0x0] =	wrdreg $0x0  }
0xae: {  	s5 =	sshll.u32 s28, $0x1;
	[dreg:$0x2] =	wrdreg s3  }
0xaf: {  	[dreg:$0x3] =	wrdreg s5  }
0xb0: {  	[dreg:$0x4] =	wrdreg $0xC0  }
0xb1: {  	_ =	task [dreg:s7], $0x5FFFF  }
0xb2: {  	[dreg:$0x1] =	wrdreg $0xFFFFFFFF  }
0xb3: {  	[dreg:$0x0] =	wrdreg $0x60  }
0xb4: {  	[dreg:$0x2] =	wrdreg s24  }
0xb5: {  	[dreg:$0x3] =	wrdreg s16  }
0xb6: {  	[dreg:$0x4] =	wrdreg $0x84000  }
0xb7: {  	[dreg:$0x5] =	wrdreg $0x9  }
0xb8: {  	_ =	task.clear_ibuf [dreg:s7], $0x6FFFF;
	_ =	strace $0x90000046  }
0xb9: {  	s29 =	simm.s32 $0x9;
	_ =	strace $0x80000048  }
0xba: {  	_ =	swait.ge [sflag:s29], $0x1  }
0xbb: {  	[sflag:s29] =	ssyncadd.s32 $0xFFFFFFFF  }
0xbc: {  	_ =	strace $0x90000048  }
0xbd: {  	_ =	sfence  }
0xbe: {  	s30 =	sld [smem:$0x0];
	_ =	sdelay $0x2  }
0xbf: {  	s31 =	sshll.u32 s1, $0xD;
	s1 =	sshrl.u32 s1, $0x2  }
0xc0: {  	s3 =	sand.u32 $0x4000, s31;
	s1 =	sadd.s32 s1, s30  }
0xc1: {  	s0 =	sor.u32 s3, s0;
	s1 =	sshll.u32 s1, $0x11  }
0xc2: {  	s0 =	sor.u32 s1, s0  }
0xc3: {  	s0 =	sadd.s32 $0x8F2B, s0  }
0xc4: {  	[sflag:s0] =	ssyncadd.remote.s32 $0x1  }
0xc5: {  	_ =	sfence.sel $0xFFFF  }
0xc6: {  	[dreg:$0x0] =	wrdreg $0xFFFFFFFF;
	(pc) =	sbr.abs _section_cstart, $3  }
0xc7: {  	[dreg:$0x1] =	wrdreg $0xFFFFFFFF  }
0xc8: {  	_ =	task.clear_ibuf [dreg:s7], $0x2FFFF;
	_ =	strace $0x9FFFFFFF  }
0xc9: {  	(tm) =	ssettm $0x7FFFFFFF  }
tec
execute0_lowered:
.L_overlay_start_1:
0x0: {  	(tag) =	ssettag $0x1  }
0x1: {  	s4 =	rddreg [dreg:$0x0]  }
0x2: {  	s5 =	rddreg [dreg:$0x1]  }
0x3: {  	s1 =	rddreg [dreg:$0x2]  }
0x4: {  	s0 =	rddreg [dreg:$0x3];
	s2 =	simm.s32 $0x0;
	s3 =	srdreg.scid  }
0x5: {  	s6 =	stileid.u32;
	s31 =	simm.s32 $0x8200;
	s11 =	simm.s32 $0x1A00  }
0x6: {  	s12 =	simm.s32 $0x2200;
	s13 =	simm.s32 $0x2A00;
	s14 =	simm.s32 $0x3200  }
0x7: {  	s15 =	simm.s32 $0x3A00;
	s16 =	simm.s32 $0x4200;
	s17 =	simm.s32 $0x4A00  }
0x8: {  	s18 =	simm.s32 $0x5200;
	s19 =	simm.s32 $0x5A00;
	[smem:$0x7FF] =	sst s2  }
0x9: {  	s7 =	sand.u32 $0x1, s3;
	s8 =	sshll.u32 s6, $0xA;
	s3 =	sadd.s32 $0x400, s4  }
0xa: {  	s20 =	sadd.s32 $0x40C00, s4;
	s21 =	sadd.s32 $0x41000, s4;
	p0 =	sne.s32 s6, $0x0  }
0xb: {  	s6 =	simm.s32 $0x2;
	_ =	strace $0x80000047;
	[dreg:$0x4] =	wrdreg s20  }
0xc: {  	s9 =	sshll.u32 s7, $0x9;
	[dreg:$0x5] =	wrdreg s21;
	s22 =	sshll.u32 s7, $0x4  }
0xd: {  	s25 =	ssub.s32 $0x2, s7;
	[dreg:$0xb] =	wrdreg s31;
	s7 =	sshrl.u32 @!p0 s1, $0x3  }
0xe: {  	s20 =	simm.s32 $0x6200;
	s21 =	simm.s32 $0x6A00;
	s8 =	sor.u32 s9, s8  }
0xf: {  	s28 =	sshrl.u32 s25, $0x1;
	s9 =	simm.s32 $0xA00;
	s10 =	sshrl.u32 s8, $0x3  }
0x10: {  	s8 =	sshll.u32 s8, $0x5;
	s10 =	sadd.s32 s10, s4;
	s4 =	sadd.s32 s22, s4  }
0x11: {  	s22 =	simm.s32 $0x7200;
	s23 =	sadd.s32 $0x40400, s10;
	s24 =	sadd.s32 $0x41200, s4  }
0x12: {  	s4 =	sadd.s32 s5, s8;
	s5 =	ssub.s32 s25, s28;
	[dreg:$0x6] =	wrdreg s23  }
0x13: {  	s8 =	simm.s32 $0x200;
	[dreg:$0x7] =	wrdreg s24;
	s26 =	sadd.s32 $0x1000, s4  }
0x14: {  	v2 =	vlaneseq.u32;
	s10 =	simm.s32 $0x1200;
	s29 =	sadd.s32 $0x2000, s4;
	[dreg:$0x8] =	wrdreg s26  }
0x15: {  	vm0 =	vmmov $0xffff;
	v1 =	vshrl.u32 v2, $0x3;
	s30 =	sadd.s32 $0x3000, s4;
	s5 =	smax.u32 s5, $0x1;
	[dreg:$0x9] =	wrdreg s29  }
0x16: {  	v0 =	vand.u32 $0x7, v2;
	v2 =	vor.u32 $0x8, v2;
	v1 =	vmul.u32 $0x8, v1;
	s23 =	simm.s32 $0x7A00;
	s24 =	simm.s32 $0x1;
	[dreg:$0xa] =	wrdreg s30  }
.LBB2_1:
0x17: {  	s25 =	rddreg [dreg:$0x6]  }
0x18: {  	[tilespmem:s2], [sflag:$0x2] =	stream.linear.gather [hbm4b:s25+s2], $0x200, $0x38;
	[tilespmem:$0x8600] =	vst v63  }
0x19: {  	_ =	swait.ge [sflag:s6], $0x200  }
0x1a: {  	s28 =	rddreg [dreg:$0x5];
	[sflag:s6] =	ssyncset.done $0x0  }
0x1b: {  	s26 =	rddreg [dreg:$0xb];
	[sflag:s6] =	ssyncadd.s32 $0xFFFFFE00  }
0x1c: {  	[tilespmem:s26], [sflag:$0x2] =	stream.linear.gather [hbm4b:s28+s2], $0x200, $0x38;
	[tilespmem:$0x8600] =	vst v63  }
0x1d: {  	_ =	swait.ge [sflag:s6], $0x200  }
0x1e: {  	[sflag:s6] =	ssyncset.done $0x0  }
0x1f: {  	s25 =	simm.s32 @p0 $0x200;
	[sflag:s6] =	ssyncadd.s32 $0xFFFFFE00  }
0x20: {  	s26 =	simm.s32 @p0 $0x0;
	s28 =	simm.s32 @p0 $0x8200;
	[bflag:$0x0] =	sbarrier.arrive @p0 $0xFFFF  }
0x21: {  	[spmem:s1] =	stream.indirect.scatter.add.f32 @p0 [tilespmem:s28], [sflag:$0x2], $0x1, s26, s25, $0xb8;
	[tilespmem:$0x8600] =	vst v63  }
0x22: {  	s25 =	simm.s32 @p0 $0x2  }
0x23: {  	_ =	swait.ge @p0 [sflag:s25], $0x200  }
0x24: {  	[sflag:s25] =	ssyncset.done @p0 $0x0  }
0x25: {  	[sflag:s25] =	ssyncadd.s32 @p0 $0xFFFFFE00  }
0x26: {  	[bflag:$0x0] =	sbarrier.arrive @p0 $0xFFFF  }
0x27: {  	s26 =	simm.s32 @!p0 $0x1C02;
	s25 =	rddreg [dreg:$0x4]  }
0x28: {  	[spmem:s7], [sflag:s26] =	dma.local @!p0 [hbm:s25], $0x400  }
0x29: {  	s25 =	simm.s32 @!p0 $0x2  }
0x2a: {  	_ =	swait.ge @!p0 [sflag:s25], $0x400  }
0x2b: {  	[sflag:s25] =	ssyncset.done @!p0 $0x0  }
0x2c: {  	s29 =	simm.s32 @!p0 $0x0;
	[sflag:s25] =	ssyncadd.s32 @!p0 $0xFFFFFC00  }
0x2d: {  	s30 =	simm.s32 @!p0 $0x8200;
	s28 =	simm.s32 @!p0 $0x200;
	[bflag:$0x0] =	sbarrier.arrive @!p0 $0xFFFF  }
0x2e: {  	[spmem:s1] =	stream.indirect.scatter.add.f32 @!p0 [tilespmem:s30], [sflag:$0x2], $0x1, s29, s28, $0xb8;
	[tilespmem:$0x8600] =	vst v63  }
0x2f: {  	_ =	swait.ge @!p0 [sflag:s25], $0x200  }
0x30: {  	[sflag:s25] =	ssyncset.done @!p0 $0x0  }
0x31: {  	[sflag:s25] =	ssyncadd.s32 @!p0 $0xFFFFFE00  }
0x32: {  	s31 =	simm.s32 @!p0 $0x10;
	[bflag:$0x0] =	sbarrier.arrive @!p0 $0xFFFF  }
0x33: {  	s29 =	simm.s32 @!p0 $0x1;
	s30 =	simm.s32 @!p0 $0x20;
	s28 =	rddreg [dreg:$0x7]  }
0x34: {  	[hbm:s28@s30], [sflag:s26] =	dma.strided @!p0 [spmem:s7@s31], $0x400, s29, $0x10   }
0x35: {  	_ =	swait.ge @!p0 [sflag:s25], $0x400  }
0x36: {  	[sflag:s25] =	ssyncset.done @!p0 $0x0  }
0x37: {  	[sflag:s25] =	ssyncadd.s32 @!p0 $0xFFFFFC00  }
0x38: {  	v3 =	vld [tilespmem:$0x0];
	_ =	sdelay $0x4  }
0x39: {  	v4 =	vshll.u32 v3, $0x1  }
0x3a: {  	v3 =	vand.u32 $0x7, v3;
	v4 =	vand.u32 $0xFFFFFFF0, v4  }
0x3b: {  	v3 =	vor.u32 v3, v4  }
0x3c: {  	v4 =	vperm.xlane v3, v0;
	_ =	sdelay $0x1  }
0x3d: {  	v3 =	vperm.xlane v3, v2;
	v4 =	vadd.s32 v1, v4;
	_ =	sdelay $0x1  }
0x3e: {  	v3 =	vadd.s32 v1, v3;
	_ =	sdelay $0x2  }
0x3f: {  	[tilespmem:s8], [sflag:$0x1] =	stream.indirect_vreg.gather [hbm4b:s3+s2], $0x80, v4, vm0, $0xb8;
	[tilespmem:$0x8600] =	vst v63  }
0x40: {  	_ = 	snop  }
0x41: {  	[tilespmem:s9], [sflag:$0x1] =	stream.indirect_vreg.gather [hbm4b:s3+s2], $0x80, v3, vm0, $0xb8;
	[tilespmem:$0x8600] =	vst v63  }
0x42: {  	v3 =	vld [tilespmem:$0x10];
	_ =	sdelay $0x4  }
0x43: {  	v33 =	vshll.u32 v3, $0x1  }
0x44: {  	v3 =	vand.u32 $0x7, v3;
	v4 =	vand.u32 $0xFFFFFFF0, v33  }
0x45: {  	v3 =	vor.u32 v3, v4  }
0x46: {  	v4 =	vperm.xlane v3, v0;
	_ =	sdelay $0x1  }
0x47: {  	v3 =	vperm.xlane v3, v2;
	v4 =	vadd.s32 v1, v4;
	_ =	sdelay $0x1  }
0x48: {  	v3 =	vadd.s32 v1, v3;
	_ =	sdelay $0x2  }
0x49: {  	[tilespmem:s10], [sflag:$0x1] =	stream.indirect_vreg.gather [hbm4b:s3+s2], $0x80, v4, vm0, $0xb8;
	[tilespmem:$0x8600] =	vst v63  }
0x4a: {  	_ = 	snop  }
0x4b: {  	[tilespmem:s11], [sflag:$0x1] =	stream.indirect_vreg.gather [hbm4b:s3+s2], $0x80, v3, vm0, $0xb8;
	[tilespmem:$0x8600] =	vst v63  }
0x4c: {  	v3 =	vld [tilespmem:$0x20];
	_ =	sdelay $0x4  }
0x4d: {  	v34 =	vshll.u32 v3, $0x1  }
0x4e: {  	v3 =	vand.u32 $0x7, v3;
	v4 =	vand.u32 $0xFFFFFFF0, v34  }
0x4f: {  	v3 =	vor.u32 v3, v4  }
0x50: {  	v4 =	vperm.xlane v3, v0;
	_ =	sdelay $0x1  }
0x51: {  	v3 =	vperm.xlane v3, v2;
	v4 =	vadd.s32 v1, v4;
	_ =	sdelay $0x1  }
0x52: {  	v3 =	vadd.s32 v1, v3;
	_ =	sdelay $0x2  }
0x53: {  	[tilespmem:s12], [sflag:$0x1] =	stream.indirect_vreg.gather [hbm4b:s3+s2], $0x80, v4, vm0, $0xb8;
	[tilespmem:$0x8600] =	vst v63  }
0x54: {  	_ = 	snop  }
0x55: {  	[tilespmem:s13], [sflag:$0x1] =	stream.indirect_vreg.gather [hbm4b:s3+s2], $0x80, v3, vm0, $0xb8;
	[tilespmem:$0x8600] =	vst v63  }
0x56: {  	v3 =	vld [tilespmem:$0x30];
	_ =	sdelay $0x4  }
0x57: {  	v35 =	vshll.u32 v3, $0x1  }
0x58: {  	v3 =	vand.u32 $0x7, v3;
	v4 =	vand.u32 $0xFFFFFFF0, v35  }
0x59: {  	v3 =	vor.u32 v3, v4  }
0x5a: {  	v4 =	vperm.xlane v3, v0;
	_ =	sdelay $0x1  }
0x5b: {  	v3 =	vperm.xlane v3, v2;
	v4 =	vadd.s32 v1, v4;
	_ =	sdelay $0x1  }
0x5c: {  	v3 =	vadd.s32 v1, v3;
	_ =	sdelay $0x2  }
0x5d: {  	[tilespmem:s14], [sflag:$0x1] =	stream.indirect_vreg.gather [hbm4b:s3+s2], $0x80, v4, vm0, $0xb8;
	[tilespmem:$0x8600] =	vst v63  }
0x5e: {  	_ = 	snop  }
0x5f: {  	[tilespmem:s15], [sflag:$0x1] =	stream.indirect_vreg.gather [hbm4b:s3+s2], $0x80, v3, vm0, $0xb8;
	[tilespmem:$0x8600] =	vst v63  }
0x60: {  	v3 =	vld [tilespmem:$0x40];
	_ =	sdelay $0x4  }
0x61: {  	v36 =	vshll.u32 v3, $0x1  }
0x62: {  	v3 =	vand.u32 $0x7, v3;
	v4 =	vand.u32 $0xFFFFFFF0, v36  }
0x63: {  	v3 =	vor.u32 v3, v4  }
0x64: {  	v4 =	vperm.xlane v3, v0;
	_ =	sdelay $0x1  }
0x65: {  	v3 =	vperm.xlane v3, v2;
	v4 =	vadd.s32 v1, v4;
	_ =	sdelay $0x1  }
0x66: {  	v3 =	vadd.s32 v1, v3;
	_ =	sdelay $0x2  }
0x67: {  	[tilespmem:s16], [sflag:$0x1] =	stream.indirect_vreg.gather [hbm4b:s3+s2], $0x80, v4, vm0, $0xb8;
	[tilespmem:$0x8600] =	vst v63  }
0x68: {  	_ = 	snop  }
0x69: {  	[tilespmem:s17], [sflag:$0x1] =	stream.indirect_vreg.gather [hbm4b:s3+s2], $0x80, v3, vm0, $0xb8;
	[tilespmem:$0x8600] =	vst v63  }
0x6a: {  	v3 =	vld [tilespmem:$0x50];
	_ =	sdelay $0x4  }
0x6b: {  	v37 =	vshll.u32 v3, $0x1  }
0x6c: {  	v3 =	vand.u32 $0x7, v3;
	v4 =	vand.u32 $0xFFFFFFF0, v37  }
0x6d: {  	v3 =	vor.u32 v3, v4  }
0x6e: {  	v4 =	vperm.xlane v3, v0;
	_ =	sdelay $0x1  }
0x6f: {  	v3 =	vperm.xlane v3, v2;
	v4 =	vadd.s32 v1, v4;
	_ =	sdelay $0x1  }
0x70: {  	v3 =	vadd.s32 v1, v3;
	_ =	sdelay $0x2  }
0x71: {  	[tilespmem:s18], [sflag:$0x1] =	stream.indirect_vreg.gather [hbm4b:s3+s2], $0x80, v4, vm0, $0xb8;
	[tilespmem:$0x8600] =	vst v63  }
0x72: {  	_ = 	snop  }
0x73: {  	[tilespmem:s19], [sflag:$0x1] =	stream.indirect_vreg.gather [hbm4b:s3+s2], $0x80, v3, vm0, $0xb8;
	[tilespmem:$0x8600] =	vst v63  }
0x74: {  	v3 =	vld [tilespmem:$0x60];
	_ =	sdelay $0x4  }
0x75: {  	v38 =	vshll.u32 v3, $0x1  }
0x76: {  	v3 =	vand.u32 $0x7, v3;
	v4 =	vand.u32 $0xFFFFFFF0, v38  }
0x77: {  	v3 =	vor.u32 v3, v4  }
0x78: {  	v4 =	vperm.xlane v3, v0;
	_ =	sdelay $0x1  }
0x79: {  	v3 =	vperm.xlane v3, v2;
	v4 =	vadd.s32 v1, v4;
	_ =	sdelay $0x1  }
0x7a: {  	v3 =	vadd.s32 v1, v3;
	_ =	sdelay $0x2  }
0x7b: {  	[tilespmem:s20], [sflag:$0x1] =	stream.indirect_vreg.gather [hbm4b:s3+s2], $0x80, v4, vm0, $0xb8;
	[tilespmem:$0x8600] =	vst v63  }
0x7c: {  	_ = 	snop  }
0x7d: {  	[tilespmem:s21], [sflag:$0x1] =	stream.indirect_vreg.gather [hbm4b:s3+s2], $0x80, v3, vm0, $0xb8;
	[tilespmem:$0x8600] =	vst v63  }
0x7e: {  	v3 =	vld [tilespmem:$0x70];
	_ =	sdelay $0x4  }
0x7f: {  	v39 =	vshll.u32 v3, $0x1  }
0x80: {  	v3 =	vand.u32 $0x7, v3;
	v4 =	vand.u32 $0xFFFFFFF0, v39  }
0x81: {  	v3 =	vor.u32 v3, v4  }
0x82: {  	v4 =	vperm.xlane v3, v0;
	_ =	sdelay $0x1  }
0x83: {  	v3 =	vperm.xlane v3, v2;
	v4 =	vadd.s32 v1, v4;
	_ =	sdelay $0x1  }
0x84: {  	v3 =	vadd.s32 v1, v3;
	_ =	sdelay $0x2  }
0x85: {  	[tilespmem:s22], [sflag:$0x1] =	stream.indirect_vreg.gather [hbm4b:s3+s2], $0x80, v4, vm0, $0xb8;
	[tilespmem:$0x8600] =	vst v63  }
0x86: {  	_ = 	snop  }
0x87: {  	[tilespmem:s23], [sflag:$0x1] =	stream.indirect_vreg.gather [hbm4b:s3+s2], $0x80, v3, vm0, $0xb8;
	[tilespmem:$0x8600] =	vst v63  }
0x88: {  	_ =	swait.ge [sflag:s24], $0x8000  }
0x89: {  	[sflag:s24] =	ssyncset.done $0x0  }
0x8a: {  	[sflag:s24] =	ssyncadd.s32 $0xFFFF8000  }
0x8b: {  	[hbm4b:s4+s2] =	stream.linear.scatter [tilespmem:s8], [sflag:$0x2], $0x8000, $0x38;
	[tilespmem:$0x8600] =	vst v63  }
0x8c: {  	_ =	swait.ge [sflag:s6], $0x8000  }
0x8d: {  	[sflag:s6] =	ssyncset.done $0x0  }
0x8e: {  	[sflag:s6] =	ssyncadd.s32 $0xFFFF8000  }
0x8f: {  	v3 =	vld [tilespmem:$0x80];
	_ =	sdelay $0x4  }
0x90: {  	v40 =	vshll.u32 v3, $0x1  }
0x91: {  	v3 =	vand.u32 $0x7, v3;
	v4 =	vand.u32 $0xFFFFFFF0, v40  }
0x92: {  	v3 =	vor.u32 v3, v4  }
0x93: {  	v4 =	vperm.xlane v3, v0;
	_ =	sdelay $0x1  }
0x94: {  	v3 =	vperm.xlane v3, v2;
	v4 =	vadd.s32 v1, v4;
	_ =	sdelay $0x1  }
0x95: {  	v3 =	vadd.s32 v1, v3;
	_ =	sdelay $0x2  }
0x96: {  	[tilespmem:s8], [sflag:$0x1] =	stream.indirect_vreg.gather [hbm4b:s3+s2], $0x80, v4, vm0, $0xb8;
	[tilespmem:$0x8600] =	vst v63  }
0x97: {  	_ = 	snop  }
0x98: {  	[tilespmem:s9], [sflag:$0x1] =	stream.indirect_vreg.gather [hbm4b:s3+s2], $0x80, v3, vm0, $0xb8;
	[tilespmem:$0x8600] =	vst v63  }
0x99: {  	v3 =	vld [tilespmem:$0x90];
	_ =	sdelay $0x4  }
0x9a: {  	v41 =	vshll.u32 v3, $0x1  }
0x9b: {  	v3 =	vand.u32 $0x7, v3;
	v4 =	vand.u32 $0xFFFFFFF0, v41  }
0x9c: {  	v3 =	vor.u32 v3, v4  }
0x9d: {  	v4 =	vperm.xlane v3, v0;
	_ =	sdelay $0x1  }
0x9e: {  	v3 =	vperm.xlane v3, v2;
	v4 =	vadd.s32 v1, v4;
	_ =	sdelay $0x1  }
0x9f: {  	v3 =	vadd.s32 v1, v3;
	_ =	sdelay $0x2  }
0xa0: {  	[tilespmem:s10], [sflag:$0x1] =	stream.indirect_vreg.gather [hbm4b:s3+s2], $0x80, v4, vm0, $0xb8;
	[tilespmem:$0x8600] =	vst v63  }
0xa1: {  	_ = 	snop  }
0xa2: {  	[tilespmem:s11], [sflag:$0x1] =	stream.indirect_vreg.gather [hbm4b:s3+s2], $0x80, v3, vm0, $0xb8;
	[tilespmem:$0x8600] =	vst v63  }
0xa3: {  	v3 =	vld [tilespmem:$0xA0];
	_ =	sdelay $0x4  }
0xa4: {  	v42 =	vshll.u32 v3, $0x1  }
0xa5: {  	v3 =	vand.u32 $0x7, v3;
	v4 =	vand.u32 $0xFFFFFFF0, v42  }
0xa6: {  	v3 =	vor.u32 v3, v4  }
0xa7: {  	v4 =	vperm.xlane v3, v0;
	_ =	sdelay $0x1  }
0xa8: {  	v3 =	vperm.xlane v3, v2;
	v4 =	vadd.s32 v1, v4;
	_ =	sdelay $0x1  }
0xa9: {  	v3 =	vadd.s32 v1, v3;
	_ =	sdelay $0x2  }
0xaa: {  	[tilespmem:s12], [sflag:$0x1] =	stream.indirect_vreg.gather [hbm4b:s3+s2], $0x80, v4, vm0, $0xb8;
	[tilespmem:$0x8600] =	vst v63  }
0xab: {  	_ = 	snop  }
0xac: {  	[tilespmem:s13], [sflag:$0x1] =	stream.indirect_vreg.gather [hbm4b:s3+s2], $0x80, v3, vm0, $0xb8;
	[tilespmem:$0x8600] =	vst v63  }
0xad: {  	v3 =	vld [tilespmem:$0xB0];
	_ =	sdelay $0x4  }
0xae: {  	v43 =	vshll.u32 v3, $0x1  }
0xaf: {  	v3 =	vand.u32 $0x7, v3;
	v4 =	vand.u32 $0xFFFFFFF0, v43  }
0xb0: {  	v3 =	vor.u32 v3, v4  }
0xb1: {  	v4 =	vperm.xlane v3, v0;
	_ =	sdelay $0x1  }
0xb2: {  	v3 =	vperm.xlane v3, v2;
	v4 =	vadd.s32 v1, v4;
	_ =	sdelay $0x1  }
0xb3: {  	v3 =	vadd.s32 v1, v3;
	_ =	sdelay $0x2  }
0xb4: {  	[tilespmem:s14], [sflag:$0x1] =	stream.indirect_vreg.gather [hbm4b:s3+s2], $0x80, v4, vm0, $0xb8;
	[tilespmem:$0x8600] =	vst v63  }
0xb5: {  	_ = 	snop  }
0xb6: {  	[tilespmem:s15], [sflag:$0x1] =	stream.indirect_vreg.gather [hbm4b:s3+s2], $0x80, v3, vm0, $0xb8;
	[tilespmem:$0x8600] =	vst v63  }
0xb7: {  	v3 =	vld [tilespmem:$0xC0];
	_ =	sdelay $0x4  }
0xb8: {  	v44 =	vshll.u32 v3, $0x1  }
0xb9: {  	v3 =	vand.u32 $0x7, v3;
	v4 =	vand.u32 $0xFFFFFFF0, v44  }
0xba: {  	v3 =	vor.u32 v3, v4  }
0xbb: {  	v4 =	vperm.xlane v3, v0;
	_ =	sdelay $0x1  }
0xbc: {  	v3 =	vperm.xlane v3, v2;
	v4 =	vadd.s32 v1, v4;
	_ =	sdelay $0x1  }
0xbd: {  	v3 =	vadd.s32 v1, v3;
	_ =	sdelay $0x2  }
0xbe: {  	[tilespmem:s16], [sflag:$0x1] =	stream.indirect_vreg.gather [hbm4b:s3+s2], $0x80, v4, vm0, $0xb8;
	[tilespmem:$0x8600] =	vst v63  }
0xbf: {  	_ = 	snop  }
0xc0: {  	[tilespmem:s17], [sflag:$0x1] =	stream.indirect_vreg.gather [hbm4b:s3+s2], $0x80, v3, vm0, $0xb8;
	[tilespmem:$0x8600] =	vst v63  }
0xc1: {  	v3 =	vld [tilespmem:$0xD0];
	_ =	sdelay $0x4  }
0xc2: {  	v45 =	vshll.u32 v3, $0x1  }
0xc3: {  	v3 =	vand.u32 $0x7, v3;
	v4 =	vand.u32 $0xFFFFFFF0, v45  }
0xc4: {  	v3 =	vor.u32 v3, v4  }
0xc5: {  	v4 =	vperm.xlane v3, v0;
	_ =	sdelay $0x1  }
0xc6: {  	v3 =	vperm.xlane v3, v2;
	v4 =	vadd.s32 v1, v4;
	_ =	sdelay $0x1  }
0xc7: {  	v3 =	vadd.s32 v1, v3;
	_ =	sdelay $0x2  }
0xc8: {  	[tilespmem:s18], [sflag:$0x1] =	stream.indirect_vreg.gather [hbm4b:s3+s2], $0x80, v4, vm0, $0xb8;
	[tilespmem:$0x8600] =	vst v63  }
0xc9: {  	_ = 	snop  }
0xca: {  	[tilespmem:s19], [sflag:$0x1] =	stream.indirect_vreg.gather [hbm4b:s3+s2], $0x80, v3, vm0, $0xb8;
	[tilespmem:$0x8600] =	vst v63  }
0xcb: {  	v3 =	vld [tilespmem:$0xE0];
	_ =	sdelay $0x4  }
0xcc: {  	v46 =	vshll.u32 v3, $0x1  }
0xcd: {  	v3 =	vand.u32 $0x7, v3;
	v4 =	vand.u32 $0xFFFFFFF0, v46  }
0xce: {  	v3 =	vor.u32 v3, v4  }
0xcf: {  	v4 =	vperm.xlane v3, v0;
	_ =	sdelay $0x1  }
0xd0: {  	v3 =	vperm.xlane v3, v2;
	v4 =	vadd.s32 v1, v4;
	_ =	sdelay $0x1  }
0xd1: {  	v3 =	vadd.s32 v1, v3;
	_ =	sdelay $0x2  }
0xd2: {  	[tilespmem:s20], [sflag:$0x1] =	stream.indirect_vreg.gather [hbm4b:s3+s2], $0x80, v4, vm0, $0xb8;
	[tilespmem:$0x8600] =	vst v63  }
0xd3: {  	_ = 	snop  }
0xd4: {  	[tilespmem:s21], [sflag:$0x1] =	stream.indirect_vreg.gather [hbm4b:s3+s2], $0x80, v3, vm0, $0xb8;
	[tilespmem:$0x8600] =	vst v63  }
0xd5: {  	v3 =	vld [tilespmem:$0xF0];
	_ =	sdelay $0x4  }
0xd6: {  	v47 =	vshll.u32 v3, $0x1  }
0xd7: {  	v3 =	vand.u32 $0x7, v3;
	v4 =	vand.u32 $0xFFFFFFF0, v47  }
0xd8: {  	v3 =	vor.u32 v3, v4  }
0xd9: {  	v4 =	vperm.xlane v3, v0;
	_ =	sdelay $0x1  }
0xda: {  	v3 =	vperm.xlane v3, v2;
	v4 =	vadd.s32 v1, v4;
	_ =	sdelay $0x1  }
0xdb: {  	v3 =	vadd.s32 v1, v3;
	_ =	sdelay $0x2  }
0xdc: {  	[tilespmem:s22], [sflag:$0x1] =	stream.indirect_vreg.gather [hbm4b:s3+s2], $0x80, v4, vm0, $0xb8;
	[tilespmem:$0x8600] =	vst v63  }
0xdd: {  	_ = 	snop  }
0xde: {  	[tilespmem:s23], [sflag:$0x1] =	stream.indirect_vreg.gather [hbm4b:s3+s2], $0x80, v3, vm0, $0xb8;
	[tilespmem:$0x8600] =	vst v63  }
0xdf: {  	_ =	swait.ge [sflag:s24], $0x8000  }
0xe0: {  	[sflag:s24] =	ssyncset.done $0x0  }
0xe1: {  	s29 =	rddreg [dreg:$0x8];
	[sflag:s24] =	ssyncadd.s32 $0xFFFF8000  }
0xe2: {  	[hbm4b:s29+s2] =	stream.linear.scatter [tilespmem:s8], [sflag:$0x2], $0x8000, $0x38;
	[tilespmem:$0x8600] =	vst v63  }
0xe3: {  	_ =	swait.ge [sflag:s6], $0x8000  }
0xe4: {  	[sflag:s6] =	ssyncset.done $0x0  }
0xe5: {  	[sflag:s6] =	ssyncadd.s32 $0xFFFF8000  }
0xe6: {  	v3 =	vld [tilespmem:$0x100];
	_ =	sdelay $0x4  }
0xe7: {  	v48 =	vshll.u32 v3, $0x1  }
0xe8: {  	v3 =	vand.u32 $0x7, v3;
	v4 =	vand.u32 $0xFFFFFFF0, v48  }
0xe9: {  	v3 =	vor.u32 v3, v4  }
0xea: {  	v4 =	vperm.xlane v3, v0;
	_ =	sdelay $0x1  }
0xeb: {  	v3 =	vperm.xlane v3, v2;
	v4 =	vadd.s32 v1, v4;
	_ =	sdelay $0x1  }
0xec: {  	v3 =	vadd.s32 v1, v3;
	_ =	sdelay $0x2  }
0xed: {  	[tilespmem:s8], [sflag:$0x1] =	stream.indirect_vreg.gather [hbm4b:s3+s2], $0x80, v4, vm0, $0xb8;
	[tilespmem:$0x8600] =	vst v63  }
0xee: {  	_ = 	snop  }
0xef: {  	[tilespmem:s9], [sflag:$0x1] =	stream.indirect_vreg.gather [hbm4b:s3+s2], $0x80, v3, vm0, $0xb8;
	[tilespmem:$0x8600] =	vst v63  }
0xf0: {  	v3 =	vld [tilespmem:$0x110];
	_ =	sdelay $0x4  }
0xf1: {  	v49 =	vshll.u32 v3, $0x1  }
0xf2: {  	v3 =	vand.u32 $0x7, v3;
	v4 =	vand.u32 $0xFFFFFFF0, v49  }
0xf3: {  	v3 =	vor.u32 v3, v4  }
0xf4: {  	v4 =	vperm.xlane v3, v0;
	_ =	sdelay $0x1  }
0xf5: {  	v3 =	vperm.xlane v3, v2;
	v4 =	vadd.s32 v1, v4;
	_ =	sdelay $0x1  }
0xf6: {  	v3 =	vadd.s32 v1, v3;
	_ =	sdelay $0x2  }
0xf7: {  	[tilespmem:s10], [sflag:$0x1] =	stream.indirect_vreg.gather [hbm4b:s3+s2], $0x80, v4, vm0, $0xb8;
	[tilespmem:$0x8600] =	vst v63  }
0xf8: {  	_ = 	snop  }
0xf9: {  	[tilespmem:s11], [sflag:$0x1] =	stream.indirect_vreg.gather [hbm4b:s3+s2], $0x80, v3, vm0, $0xb8;
	[tilespmem:$0x8600] =	vst v63  }
0xfa: {  	v3 =	vld [tilespmem:$0x120];
	_ =	sdelay $0x4  }
0xfb: {  	v50 =	vshll.u32 v3, $0x1  }
0xfc: {  	v3 =	vand.u32 $0x7, v3;
	v4 =	vand.u32 $0xFFFFFFF0, v50  }
0xfd: {  	v3 =	vor.u32 v3, v4  }
0xfe: {  	v4 =	vperm.xlane v3, v0;
	_ =	sdelay $0x1  }
0xff: {  	v3 =	vperm.xlane v3, v2;
	v4 =	vadd.s32 v1, v4;
	_ =	sdelay $0x1  }
0x100: {  	v3 =	vadd.s32 v1, v3;
	_ =	sdelay $0x2  }
0x101: {  	[tilespmem:s12], [sflag:$0x1] =	stream.indirect_vreg.gather [hbm4b:s3+s2], $0x80, v4, vm0, $0xb8;
	[tilespmem:$0x8600] =	vst v63  }
0x102: {  	_ = 	snop  }
0x103: {  	[tilespmem:s13], [sflag:$0x1] =	stream.indirect_vreg.gather [hbm4b:s3+s2], $0x80, v3, vm0, $0xb8;
	[tilespmem:$0x8600] =	vst v63  }
0x104: {  	v3 =	vld [tilespmem:$0x130];
	_ =	sdelay $0x4  }
0x105: {  	v51 =	vshll.u32 v3, $0x1  }
0x106: {  	v3 =	vand.u32 $0x7, v3;
	v4 =	vand.u32 $0xFFFFFFF0, v51  }
0x107: {  	v3 =	vor.u32 v3, v4  }
0x108: {  	v4 =	vperm.xlane v3, v0;
	_ =	sdelay $0x1  }
0x109: {  	v3 =	vperm.xlane v3, v2;
	v4 =	vadd.s32 v1, v4;
	_ =	sdelay $0x1  }
0x10a: {  	v3 =	vadd.s32 v1, v3;
	_ =	sdelay $0x2  }
0x10b: {  	[tilespmem:s14], [sflag:$0x1] =	stream.indirect_vreg.gather [hbm4b:s3+s2], $0x80, v4, vm0, $0xb8;
	[tilespmem:$0x8600] =	vst v63  }
0x10c: {  	_ = 	snop  }
0x10d: {  	[tilespmem:s15], [sflag:$0x1] =	stream.indirect_vreg.gather [hbm4b:s3+s2], $0x80, v3, vm0, $0xb8;
	[tilespmem:$0x8600] =	vst v63  }
0x10e: {  	v3 =	vld [tilespmem:$0x140];
	_ =	sdelay $0x4  }
0x10f: {  	v52 =	vshll.u32 v3, $0x1  }
0x110: {  	v3 =	vand.u32 $0x7, v3;
	v4 =	vand.u32 $0xFFFFFFF0, v52  }
0x111: {  	v3 =	vor.u32 v3, v4  }
0x112: {  	v4 =	vperm.xlane v3, v0;
	_ =	sdelay $0x1  }
0x113: {  	v3 =	vperm.xlane v3, v2;
	v4 =	vadd.s32 v1, v4;
	_ =	sdelay $0x1  }
0x114: {  	v3 =	vadd.s32 v1, v3;
	_ =	sdelay $0x2  }
0x115: {  	[tilespmem:s16], [sflag:$0x1] =	stream.indirect_vreg.gather [hbm4b:s3+s2], $0x80, v4, vm0, $0xb8;
	[tilespmem:$0x8600] =	vst v63  }
0x116: {  	_ = 	snop  }
0x117: {  	[tilespmem:s17], [sflag:$0x1] =	stream.indirect_vreg.gather [hbm4b:s3+s2], $0x80, v3, vm0, $0xb8;
	[tilespmem:$0x8600] =	vst v63  }
0x118: {  	v3 =	vld [tilespmem:$0x150];
	_ =	sdelay $0x4  }
0x119: {  	v53 =	vshll.u32 v3, $0x1  }
0x11a: {  	v3 =	vand.u32 $0x7, v3;
	v4 =	vand.u32 $0xFFFFFFF0, v53  }
0x11b: {  	v3 =	vor.u32 v3, v4  }
0x11c: {  	v4 =	vperm.xlane v3, v0;
	_ =	sdelay $0x1  }
0x11d: {  	v3 =	vperm.xlane v3, v2;
	v4 =	vadd.s32 v1, v4;
	_ =	sdelay $0x1  }
0x11e: {  	v3 =	vadd.s32 v1, v3;
	_ =	sdelay $0x2  }
0x11f: {  	[tilespmem:s18], [sflag:$0x1] =	stream.indirect_vreg.gather [hbm4b:s3+s2], $0x80, v4, vm0, $0xb8;
	[tilespmem:$0x8600] =	vst v63  }
0x120: {  	_ = 	snop  }
0x121: {  	[tilespmem:s19], [sflag:$0x1] =	stream.indirect_vreg.gather [hbm4b:s3+s2], $0x80, v3, vm0, $0xb8;
	[tilespmem:$0x8600] =	vst v63  }
0x122: {  	v3 =	vld [tilespmem:$0x160];
	_ =	sdelay $0x4  }
0x123: {  	v54 =	vshll.u32 v3, $0x1  }
0x124: {  	v3 =	vand.u32 $0x7, v3;
	v4 =	vand.u32 $0xFFFFFFF0, v54  }
0x125: {  	v3 =	vor.u32 v3, v4  }
0x126: {  	v4 =	vperm.xlane v3, v0;
	_ =	sdelay $0x1  }
0x127: {  	v3 =	vperm.xlane v3, v2;
	v4 =	vadd.s32 v1, v4;
	_ =	sdelay $0x1  }
0x128: {  	v3 =	vadd.s32 v1, v3;
	_ =	sdelay $0x2  }
0x129: {  	[tilespmem:s20], [sflag:$0x1] =	stream.indirect_vreg.gather [hbm4b:s3+s2], $0x80, v4, vm0, $0xb8;
	[tilespmem:$0x8600] =	vst v63  }
0x12a: {  	_ = 	snop  }
0x12b: {  	[tilespmem:s21], [sflag:$0x1] =	stream.indirect_vreg.gather [hbm4b:s3+s2], $0x80, v3, vm0, $0xb8;
	[tilespmem:$0x8600] =	vst v63  }
0x12c: {  	v3 =	vld [tilespmem:$0x170];
	_ =	sdelay $0x4  }
0x12d: {  	v55 =	vshll.u32 v3, $0x1  }
0x12e: {  	v3 =	vand.u32 $0x7, v3;
	v4 =	vand.u32 $0xFFFFFFF0, v55  }
0x12f: {  	v3 =	vor.u32 v3, v4  }
0x130: {  	v4 =	vperm.xlane v3, v0;
	_ =	sdelay $0x1  }
0x131: {  	v3 =	vperm.xlane v3, v2;
	v4 =	vadd.s32 v1, v4;
	_ =	sdelay $0x1  }
0x132: {  	v3 =	vadd.s32 v1, v3;
	_ =	sdelay $0x2  }
0x133: {  	[tilespmem:s22], [sflag:$0x1] =	stream.indirect_vreg.gather [hbm4b:s3+s2], $0x80, v4, vm0, $0xb8;
	[tilespmem:$0x8600] =	vst v63  }
0x134: {  	_ = 	snop  }
0x135: {  	[tilespmem:s23], [sflag:$0x1] =	stream.indirect_vreg.gather [hbm4b:s3+s2], $0x80, v3, vm0, $0xb8;
	[tilespmem:$0x8600] =	vst v63  }
0x136: {  	_ =	swait.ge [sflag:s24], $0x8000  }
0x137: {  	[sflag:s24] =	ssyncset.done $0x0  }
0x138: {  	s30 =	rddreg [dreg:$0x9];
	[sflag:s24] =	ssyncadd.s32 $0xFFFF8000  }
0x139: {  	[hbm4b:s30+s2] =	stream.linear.scatter [tilespmem:s8], [sflag:$0x2], $0x8000, $0x38;
	[tilespmem:$0x8600] =	vst v63  }
0x13a: {  	_ =	swait.ge [sflag:s6], $0x8000  }
0x13b: {  	[sflag:s6] =	ssyncset.done $0x0  }
0x13c: {  	[sflag:s6] =	ssyncadd.s32 $0xFFFF8000  }
0x13d: {  	v3 =	vld [tilespmem:$0x180];
	_ =	sdelay $0x4  }
0x13e: {  	v56 =	vshll.u32 v3, $0x1  }
0x13f: {  	v3 =	vand.u32 $0x7, v3;
	v4 =	vand.u32 $0xFFFFFFF0, v56  }
0x140: {  	v3 =	vor.u32 v3, v4  }
0x141: {  	v4 =	vperm.xlane v3, v0;
	_ =	sdelay $0x1  }
0x142: {  	v3 =	vperm.xlane v3, v2;
	v4 =	vadd.s32 v1, v4;
	_ =	sdelay $0x1  }
0x143: {  	v3 =	vadd.s32 v1, v3;
	_ =	sdelay $0x2  }
0x144: {  	[tilespmem:s8], [sflag:$0x1] =	stream.indirect_vreg.gather [hbm4b:s3+s2], $0x80, v4, vm0, $0xb8;
	[tilespmem:$0x8600] =	vst v63  }
0x145: {  	_ = 	snop  }
0x146: {  	[tilespmem:s9], [sflag:$0x1] =	stream.indirect_vreg.gather [hbm4b:s3+s2], $0x80, v3, vm0, $0xb8;
	[tilespmem:$0x8600] =	vst v63  }
0x147: {  	v3 =	vld [tilespmem:$0x190];
	_ =	sdelay $0x4  }
0x148: {  	v57 =	vshll.u32 v3, $0x1  }
0x149: {  	v3 =	vand.u32 $0x7, v3;
	v4 =	vand.u32 $0xFFFFFFF0, v57  }
0x14a: {  	v3 =	vor.u32 v3, v4  }
0x14b: {  	v4 =	vperm.xlane v3, v0;
	_ =	sdelay $0x1  }
0x14c: {  	v3 =	vperm.xlane v3, v2;
	v4 =	vadd.s32 v1, v4;
	_ =	sdelay $0x1  }
0x14d: {  	v3 =	vadd.s32 v1, v3;
	_ =	sdelay $0x2  }
0x14e: {  	[tilespmem:s10], [sflag:$0x1] =	stream.indirect_vreg.gather [hbm4b:s3+s2], $0x80, v4, vm0, $0xb8;
	[tilespmem:$0x8600] =	vst v63  }
0x14f: {  	_ = 	snop  }
0x150: {  	[tilespmem:s11], [sflag:$0x1] =	stream.indirect_vreg.gather [hbm4b:s3+s2], $0x80, v3, vm0, $0xb8;
	[tilespmem:$0x8600] =	vst v63  }
0x151: {  	v3 =	vld [tilespmem:$0x1A0];
	_ =	sdelay $0x4  }
0x152: {  	v58 =	vshll.u32 v3, $0x1  }
0x153: {  	v3 =	vand.u32 $0x7, v3;
	v4 =	vand.u32 $0xFFFFFFF0, v58  }
0x154: {  	v3 =	vor.u32 v3, v4  }
0x155: {  	v4 =	vperm.xlane v3, v0;
	_ =	sdelay $0x1  }
0x156: {  	v3 =	vperm.xlane v3, v2;
	v4 =	vadd.s32 v1, v4;
	_ =	sdelay $0x1  }
0x157: {  	v3 =	vadd.s32 v1, v3;
	_ =	sdelay $0x2  }
0x158: {  	[tilespmem:s12], [sflag:$0x1] =	stream.indirect_vreg.gather [hbm4b:s3+s2], $0x80, v4, vm0, $0xb8;
	[tilespmem:$0x8600] =	vst v63  }
0x159: {  	_ = 	snop  }
0x15a: {  	[tilespmem:s13], [sflag:$0x1] =	stream.indirect_vreg.gather [hbm4b:s3+s2], $0x80, v3, vm0, $0xb8;
	[tilespmem:$0x8600] =	vst v63  }
0x15b: {  	v3 =	vld [tilespmem:$0x1B0];
	_ =	sdelay $0x4  }
0x15c: {  	v59 =	vshll.u32 v3, $0x1  }
0x15d: {  	v3 =	vand.u32 $0x7, v3;
	v4 =	vand.u32 $0xFFFFFFF0, v59  }
0x15e: {  	v3 =	vor.u32 v3, v4  }
0x15f: {  	v4 =	vperm.xlane v3, v0;
	_ =	sdelay $0x1  }
0x160: {  	v3 =	vperm.xlane v3, v2;
	v4 =	vadd.s32 v1, v4;
	_ =	sdelay $0x1  }
0x161: {  	v3 =	vadd.s32 v1, v3;
	_ =	sdelay $0x2  }
0x162: {  	[tilespmem:s14], [sflag:$0x1] =	stream.indirect_vreg.gather [hbm4b:s3+s2], $0x80, v4, vm0, $0xb8;
	[tilespmem:$0x8600] =	vst v63  }
0x163: {  	_ = 	snop  }
0x164: {  	[tilespmem:s15], [sflag:$0x1] =	stream.indirect_vreg.gather [hbm4b:s3+s2], $0x80, v3, vm0, $0xb8;
	[tilespmem:$0x8600] =	vst v63  }
0x165: {  	v3 =	vld [tilespmem:$0x1C0];
	_ =	sdelay $0x4  }
0x166: {  	v60 =	vshll.u32 v3, $0x1  }
0x167: {  	v3 =	vand.u32 $0x7, v3;
	v4 =	vand.u32 $0xFFFFFFF0, v60  }
0x168: {  	v3 =	vor.u32 v3, v4  }
0x169: {  	v4 =	vperm.xlane v3, v0;
	_ =	sdelay $0x1  }
0x16a: {  	v3 =	vperm.xlane v3, v2;
	v4 =	vadd.s32 v1, v4;
	_ =	sdelay $0x1  }
0x16b: {  	v3 =	vadd.s32 v1, v3;
	_ =	sdelay $0x2  }
0x16c: {  	[tilespmem:s16], [sflag:$0x1] =	stream.indirect_vreg.gather [hbm4b:s3+s2], $0x80, v4, vm0, $0xb8;
	[tilespmem:$0x8600] =	vst v63  }
0x16d: {  	_ = 	snop  }
0x16e: {  	[tilespmem:s17], [sflag:$0x1] =	stream.indirect_vreg.gather [hbm4b:s3+s2], $0x80, v3, vm0, $0xb8;
	[tilespmem:$0x8600] =	vst v63  }
0x16f: {  	v3 =	vld [tilespmem:$0x1D0];
	_ =	sdelay $0x4  }
0x170: {  	v61 =	vshll.u32 v3, $0x1  }
0x171: {  	v3 =	vand.u32 $0x7, v3;
	v4 =	vand.u32 $0xFFFFFFF0, v61  }
0x172: {  	v3 =	vor.u32 v3, v4  }
0x173: {  	v4 =	vperm.xlane v3, v0;
	_ =	sdelay $0x1  }
0x174: {  	v3 =	vperm.xlane v3, v2;
	v4 =	vadd.s32 v1, v4;
	_ =	sdelay $0x1  }
0x175: {  	v3 =	vadd.s32 v1, v3;
	_ =	sdelay $0x2  }
0x176: {  	[tilespmem:s18], [sflag:$0x1] =	stream.indirect_vreg.gather [hbm4b:s3+s2], $0x80, v4, vm0, $0xb8;
	[tilespmem:$0x8600] =	vst v63  }
0x177: {  	_ = 	snop  }
0x178: {  	[tilespmem:s19], [sflag:$0x1] =	stream.indirect_vreg.gather [hbm4b:s3+s2], $0x80, v3, vm0, $0xb8;
	[tilespmem:$0x8600] =	vst v63  }
0x179: {  	v3 =	vld [tilespmem:$0x1E0];
	_ =	sdelay $0x4  }
0x17a: {  	v62 =	vshll.u32 v3, $0x1  }
0x17b: {  	v3 =	vand.u32 $0x7, v3;
	v4 =	vand.u32 $0xFFFFFFF0, v62  }
0x17c: {  	v3 =	vor.u32 v3, v4  }
0x17d: {  	v4 =	vperm.xlane v3, v0;
	_ =	sdelay $0x1  }
0x17e: {  	v3 =	vperm.xlane v3, v2;
	v4 =	vadd.s32 v1, v4;
	_ =	sdelay $0x1  }
0x17f: {  	v3 =	vadd.s32 v1, v3;
	_ =	sdelay $0x2  }
0x180: {  	[tilespmem:s20], [sflag:$0x1] =	stream.indirect_vreg.gather [hbm4b:s3+s2], $0x80, v4, vm0, $0xb8;
	[tilespmem:$0x8600] =	vst v63  }
0x181: {  	_ = 	snop  }
0x182: {  	[tilespmem:s21], [sflag:$0x1] =	stream.indirect_vreg.gather [hbm4b:s3+s2], $0x80, v3, vm0, $0xb8;
	[tilespmem:$0x8600] =	vst v63  }
0x183: {  	v3 =	vld [tilespmem:$0x1F0];
	_ =	sdelay $0x4  }
0x184: {  	v63 =	vshll.u32 v3, $0x1  }
0x185: {  	v3 =	vand.u32 $0x7, v3;
	v4 =	vand.u32 $0xFFFFFFF0, v63  }
0x186: {  	v3 =	vor.u32 v3, v4  }
0x187: {  	v4 =	vperm.xlane v3, v0;
	_ =	sdelay $0x1  }
0x188: {  	v3 =	vperm.xlane v3, v2;
	v4 =	vadd.s32 v1, v4;
	_ =	sdelay $0x1  }
0x189: {  	v3 =	vadd.s32 v1, v3;
	_ =	sdelay $0x2  }
0x18a: {  	[tilespmem:s22], [sflag:$0x1] =	stream.indirect_vreg.gather [hbm4b:s3+s2], $0x80, v4, vm0, $0xb8;
	[tilespmem:$0x8600] =	vst v63  }
0x18b: {  	_ = 	snop  }
0x18c: {  	[tilespmem:s23], [sflag:$0x1] =	stream.indirect_vreg.gather [hbm4b:s3+s2], $0x80, v3, vm0, $0xb8;
	[tilespmem:$0x8600] =	vst v63  }
0x18d: {  	s5 =	sadd.s32 $0xFFFFFFFF, s5;
	_ =	swait.ge [sflag:s24], $0x8000  }
0x18e: {  	p1 =	sne.s32 s5, $0x0;
	[sflag:s24] =	ssyncset.done $0x0  }
.Ltmp0:
0x18f: {  	s31 =	rddreg [dreg:$0xa];
	[sflag:s24] =	ssyncadd.s32 $0xFFFF8000;
	(pc) =	sbr.rel @p1 .LBB2_1-.Ltmp0, $4  }
0x190: {  	[hbm4b:s31+s2] =	stream.linear.scatter [tilespmem:s8], [sflag:$0x2], $0x8000, $0x38;
	[tilespmem:$0x8600] =	vst v63  }
0x191: {  	_ =	swait.ge [sflag:s6], $0x8000  }
0x192: {  	[sflag:s6] =	ssyncset.done $0x0  }
0x193: {  	[sflag:s6] =	ssyncadd.s32 $0xFFFF8000  }
0x194: {  	_ =	sfence.sel $0x180000  }
0x195: {  	[bflag:$0x0] =	sbarrier.arrive $0xFFFF  }
0x196: {  	_ =	strace $0x90000047  }
0x197: {  	s0 =	sadd.s32 @!p0 $0x100000, s0;
	[bflag:$0x2] =	sbarrier.arrive $0xFFFF  }
0x198: {  	[sflag:s0] =	ssyncadd.tile.s32 @!p0 $0x1;
	_ =	shalt  }
.Lfunc_end2:
_tile_overlayer_lowered:
.L_overlay_start_2:
0x199: {  	(tag) =	ssettag $0x2  }
0x19a: {  	s0 =	rddreg [dreg:$0x0];
	s2 =	stileid.u32  }
0x19b: {  	s1 =	rddreg [dreg:$0x1];
	p0 =	sne.s32 s2, $0x0  }
0x19c: {  	s3 =	rddreg [dreg:$0x2];
	[bflag:$0x3] =	sbarrier.arrive $0xFFFF;
	s2 =	simm.s32 @!p0 $0x1C02  }
0x19d: {  	[timem:s3], [sflag:s2] =	dma.local @!p0 [hbm:s0], s1  }
0x19e: {  	s0 =	simm.s32 @!p0 $0x2  }
0x19f: {  	_ =	swait.ge @!p0 [sflag:s0], s1  }
0x1a0: {  	s1 =	ssub.s32 @!p0 $0x0, s1;
	[sflag:s0] =	ssyncset.done @!p0 $0x0  }
0x1a1: {  	[sflag:s0] =	ssyncadd.s32 @!p0 s1  }
0x1a2: {  	[bflag:$0x3] =	sbarrier.arrive $0xFFFF  }
0x1a3: {  	_ =	shalt  }

</sc_bundles>
